<compile_context>
chip_gen: v7x
topology: tpu7x:2x2x1
jax: 0.10.2.dev20260603
libtpu: 0.0.44.dev20260713+nightly
codegen_flags: <defaults>
</compile_context>

<pallas_src>
import functools

import jax
import jax.numpy as jnp
from jax import lax
from jax.experimental import pallas as pl
from jax.experimental.pallas import tpu as pltpu
from jax.experimental.pallas import tpu_sc as plsc

N = 10000
E = 320000
D = 128
EPS_BN = 1e-5

NC = 2
NS = 16
NW = NC * NS

CH = 128
NCH = 80
TOT_CH = NCH * NW
E_PAD = TOT_CH * CH
NCH0 = 80
NCH1 = 80
NCH_MAX = max(NCH0, NCH1)
N_PAD = 10240
ROWS_PER_TILE = N_PAD // NS

_mesh = plsc.VectorSubcoreMesh(core_axis_name="c", subcore_axis_name="s")


def _zero_rows(zbuf, lanes_per_row):
    zv = jnp.zeros((16,), jnp.float32)

    def body(i, _):
        for k in range(lanes_per_row // 16):
            zbuf[i, pl.ds(k * 16, 16)] = zv
        return 0

    lax.fori_loop(0, CH, body, 0)


@functools.partial(
    pl.kernel,
    out_type=jax.ShapeDtypeStruct((NC, N_PAD, 16), jnp.float32),
    mesh=_mesh,
    scratch_types=[
        pltpu.VMEM((NCH, CH), jnp.int32),
        pltpu.VMEM((CH, 16), jnp.float32),
        pltpu.VMEM((CH, 16), jnp.float32),
        pltpu.VMEM_SHARED((N_PAD, 16), jnp.float32),
        pltpu.SemaphoreType.DMA,
    ],
)
def _deg_kernel(dst_hbm, out_hbm, dst_v, ones_v, zbuf, acc, sem):
    c = lax.axis_index("c")
    s = lax.axis_index("s")
    w = c * NS + s

    ov = jnp.ones((16,), jnp.float32)

    def fill(i, _):
        ones_v[i, :] = ov
        return 0

    lax.fori_loop(0, CH, fill, 0)
    _zero_rows(zbuf, 16)
    for k in range(ROWS_PER_TILE // CH):
        pltpu.sync_copy(zbuf, acc.at[pl.ds(s * ROWS_PER_TILE + k * CH, CH)])
    plsc.subcore_barrier()

    pltpu.sync_copy(dst_hbm.at[w], dst_v)

    def edge_chunk(j, _):
        pltpu.sync_copy(ones_v, acc.at[dst_v.at[j]], add=True)
        return 0

    lax.fori_loop(0, NCH, edge_chunk, 0)
    plsc.subcore_barrier()

    pltpu.sync_copy(
        acc.at[pl.ds(s * ROWS_PER_TILE, ROWS_PER_TILE)],
        out_hbm.at[c, pl.ds(s * ROWS_PER_TILE, ROWS_PER_TILE)],
    )


@functools.partial(
    pl.kernel,
    out_type=jax.ShapeDtypeStruct((NC, N_PAD, D), jnp.float32),
    mesh=_mesh,
    scratch_types=[
        pltpu.VMEM((NCH, CH), jnp.int32),
        pltpu.VMEM((NCH, CH), jnp.int32),
        pltpu.VMEM((CH, D), jnp.float32),
        pltpu.VMEM_SHARED((N_PAD, D), jnp.float32),
        pltpu.SemaphoreType.DMA,
    ],
)
def _scatter_kernel(y_hbm, src_hbm, dst_hbm, out_hbm, src_v, dst_v,
                    rows_v, acc, sem):
    c = lax.axis_index("c")
    s = lax.axis_index("s")
    w = c * NS + s

    zv = jnp.zeros((16,), jnp.float32)

    def zbody(i, _):
        for k in range(D // 16):
            rows_v[i, pl.ds(k * 16, 16)] = zv
        return 0

    lax.fori_loop(0, CH, zbody, 0)
    for k in range(ROWS_PER_TILE // CH):
        pltpu.sync_copy(rows_v,
                        acc.at[pl.ds(s * ROWS_PER_TILE + k * CH, CH)])
    plsc.subcore_barrier()

    pltpu.sync_copy(src_hbm.at[w], src_v)
    pltpu.sync_copy(dst_hbm.at[w], dst_v)

    def edge_chunk(j, _):
        pltpu.async_copy(y_hbm.at[src_v.at[j]], rows_v, sem).wait()
        pltpu.sync_copy(rows_v, acc.at[dst_v.at[j]], add=True)
        return 0

    lax.fori_loop(0, NCH, edge_chunk, 0)
    plsc.subcore_barrier()

    pltpu.sync_copy(
        acc.at[pl.ds(s * ROWS_PER_TILE, ROWS_PER_TILE)],
        out_hbm.at[c, pl.ds(s * ROWS_PER_TILE, ROWS_PER_TILE)],
    )


_GRID = 8
_BM = N_PAD // _GRID


def _prep_body(degp_ref, x_ref, w0_ref, dis_ref, y0_ref):
    deg = degp_ref[0, :, 0:1] + degp_ref[1, :, 0:1] + 1.0
    dis = 1.0 / jnp.sqrt(deg)
    dis_ref[...] = dis
    y0_ref[...] = dis * jnp.dot(x_ref[...], w0_ref[...],
                                preferred_element_type=jnp.float32)


def _mid_body(sp_ref, y0_ref, dis_ref, p_ref, w1_ref, y1_ref):
    dis = dis_ref[...]
    agg = dis * (sp_ref[0] + sp_ref[1] + y0_ref[...]) + p_ref[0:1, :]
    x1 = jnp.where(agg >= 0, agg, 0.05 * agg)
    inv_std = p_ref[1:2, :] / jnp.sqrt(p_ref[4:5, :] + EPS_BN)
    xbn = (x1 - p_ref[3:4, :]) * inv_std + p_ref[2:3, :]
    y1_ref[...] = dis * jnp.dot(xbn, w1_ref[...],
                                preferred_element_type=jnp.float32)


def _out_body(sp_ref, y1_ref, dis_ref, p_ref, o_ref):
    o_ref[...] = (dis_ref[...] * (sp_ref[0] + sp_ref[1] + y1_ref[...])
                  + p_ref[5:6, :])


_prep_call = pl.pallas_call(
    _prep_body,
    grid=(_GRID,),
    in_specs=[
        pl.BlockSpec((NC, _BM, 16), lambda i: (0, i, 0)),
        pl.BlockSpec((_BM, D), lambda i: (i, 0)),
        pl.BlockSpec((D, D), lambda i: (0, 0)),
    ],
    out_specs=[
        pl.BlockSpec((_BM, 1), lambda i: (i, 0)),
        pl.BlockSpec((_BM, D), lambda i: (i, 0)),
    ],
    out_shape=[
        jax.ShapeDtypeStruct((N_PAD, 1), jnp.float32),
        jax.ShapeDtypeStruct((N_PAD, D), jnp.float32),
    ],
)

_mid_call = pl.pallas_call(
    _mid_body,
    grid=(_GRID,),
    in_specs=[
        pl.BlockSpec((NC, _BM, D), lambda i: (0, i, 0)),
        pl.BlockSpec((_BM, D), lambda i: (i, 0)),
        pl.BlockSpec((_BM, 1), lambda i: (i, 0)),
        pl.BlockSpec((8, D), lambda i: (0, 0)),
        pl.BlockSpec((D, D), lambda i: (0, 0)),
    ],
    out_specs=pl.BlockSpec((_BM, D), lambda i: (i, 0)),
    out_shape=jax.ShapeDtypeStruct((N_PAD, D), jnp.float32),
)

_out_call = pl.pallas_call(
    _out_body,
    grid=(_GRID,),
    in_specs=[
        pl.BlockSpec((NC, _BM, D), lambda i: (0, i, 0)),
        pl.BlockSpec((_BM, D), lambda i: (i, 0)),
        pl.BlockSpec((_BM, 1), lambda i: (i, 0)),
        pl.BlockSpec((8, D), lambda i: (0, 0)),
    ],
    out_specs=pl.BlockSpec((_BM, D), lambda i: (i, 0)),
    out_shape=jax.ShapeDtypeStruct((N_PAD, D), jnp.float32),
)


@jax.jit
def kernel(node_feat, edge_index, W0, b0, gamma, beta, running_mean,
           running_var, W1, b1):
    ei = edge_index.astype(jnp.int32)
    pad = E_PAD - E
    dump = N + (jnp.arange(pad, dtype=jnp.int32) % (N_PAD - N))
    src_pad = jnp.concatenate([ei[0], dump])
    dst_pad = jnp.concatenate([ei[1], dump])
    src3 = src_pad.reshape(NW, NCH, CH)
    dst3 = dst_pad.reshape(NW, NCH, CH)

    params = jnp.stack([
        b0, gamma, beta, running_mean, running_var, b1,
        jnp.zeros_like(b0), jnp.zeros_like(b0),
    ])

    x_pad = jnp.concatenate(
        [node_feat, jnp.zeros((N_PAD - N, D), node_feat.dtype)])

    degp = _deg_kernel(dst3)
    dis, y0 = _prep_call(degp, x_pad, W0)
    s0 = _scatter_kernel(y0, src3, dst3)
    y1 = _mid_call(s0, y0, dis, params, W1)
    s1 = _scatter_kernel(y1, src3, dst3)
    return _out_call(s1, y1, dis, params)[:N]

# --- scband reference (transcript-rebuilt; emitter-appended) ---
"""Pipeline reference for scband-gcn-89386859365068 (READ-ONLY COPY).

The authoritative reference and input builder live on the scoring server;
editing this copy changes nothing except your own understanding.
"""

import jax, jax.numpy as jnp
import numpy as np

N_NODES = 10000
N_EDGES = 320000
D_IN = 128
D_HID = 128
D_OUT = 128
EPS = 1e-5


def setup_inputs(seed: int = 0) -> dict:
    key = jax.random.key(seed)
    ks = jax.random.split(key, 8)
    node_feat = jax.random.normal(ks[0], (N_NODES, D_IN), dtype=jnp.float32)
    edge_index = jax.random.randint(ks[1], (2, N_EDGES), 0, N_NODES, dtype=jnp.int64)
    W0 = jax.random.normal(ks[2], (D_IN, D_HID), dtype=jnp.float32) * 0.05
    b0 = jnp.zeros((D_HID,), dtype=jnp.float32)
    gamma = jnp.ones((D_HID,), dtype=jnp.float32)
    beta = jnp.zeros((D_HID,), dtype=jnp.float32)
    running_mean = jnp.zeros((D_HID,), dtype=jnp.float32)
    running_var = jnp.ones((D_HID,), dtype=jnp.float32)
    W1 = jax.random.normal(ks[3], (D_HID, D_OUT), dtype=jnp.float32) * 0.05
    b1 = jnp.zeros((D_OUT,), dtype=jnp.float32)
    return {"node_feat": node_feat, "edge_index": edge_index, "W0": W0, "b0": b0,
            "gamma": gamma, "beta": beta, "running_mean": running_mean,
            "running_var": running_var, "W1": W1, "b1": b1}


def _gcn_conv(x, src, dst, W, b, n):
    # PyG GCNConv with symmetric normalization and self-loops (already appended to src/dst)
    deg = jnp.zeros((n,), x.dtype).at[dst].add(1.0)
    dis = jnp.where(deg > 0, 1.0 / jnp.sqrt(deg), 0.0)
    norm = dis[src] * dis[dst]
    xw = x @ W
    msg = xw[src] * norm[:, None]
    out = jnp.zeros((n, W.shape[1]), x.dtype).at[dst].add(msg)
    return out + b


def reference(node_feat, edge_index, W0, b0, gamma, beta, running_mean, running_var, W1, b1):
    n = node_feat.shape[0]
    loop = jnp.arange(n, dtype=edge_index.dtype)
    src = jnp.concatenate([edge_index[0], loop])
    dst = jnp.concatenate([edge_index[1], loop])
    # layer 0
    x = _gcn_conv(node_feat, src, dst, W0, b0, n)
    x = jnp.where(x >= 0, x, 0.05 * x)  # LeakyReLU(0.05)
    # BatchNorm1d in eval mode (running stats), dropout is identity in eval
    x = (x - running_mean) / jnp.sqrt(running_var + EPS) * gamma + beta
    # final layer (num_layers=2 -> no middle layers)
    x = _gcn_conv(x, src, dst, W1, b1, n)
    return x

if __name__ == "__main__":
    import jax
    _d = setup_inputs()
    print(jax.jit(kernel)(*tuple(_d.values())))

</pallas_src>

<mosaic_0001>
#map = affine_map<(d0, d1) -> (0, 0, 0)>
module attributes {stable_mosaic.version = 14 : i64} {
  func.func @_deg_kernel(%arg0: i32, %arg1: i32, %arg2: memref<32x80x128xi32, #tpu.memory_space<hbm>>, %arg3: memref<2x10240x16xf32, #tpu.memory_space<hbm>>, %arg4: memref<80x128xi32, #tpu.memory_space<vmem>>, %arg5: memref<128x16xf32, #tpu.memory_space<vmem>>, %arg6: memref<128x16xf32, #tpu.memory_space<vmem>>, %arg7: memref<10240x16xf32, #tpu.memory_space<vmem_shared>>, %arg8: memref<!tpu.dma_semaphore, #tpu.memory_space<semaphore_mem>>) attributes {dimension_semantics = [#tpu.dimension_semantics<core_parallel>, #tpu.dimension_semantics<subcore_parallel>], iteration_bounds = array<i64: 2, 16>, scalar_prefetch = 0 : i64, scratch_operands = 5 : i64, tpu.core_type = #tpu.core_type<sc_vector_subcore>, window_params = [{transform_indices = #map}, {transform_indices = #map}]} {
    %mul3A = arith.constant 16 : i32
    %mul3A_0 = arith.muli %arg0, %mul3A : i32
    %add3A = arith.addi %mul3A_0, %arg1 : i32
    %broadcast_in_dim3A = arith.constant 1.000000e+00 : f32
    %broadcast_in_dim3A_1 = vector.broadcast %broadcast_in_dim3A : f32 to vector<16xf32>
    %scan3A = arith.constant 0 : i32
    %scan3A_2 = arith.constant 0 : i32
    %scan3A_3 = arith.constant 128 : i32
    %scan3A_4 = arith.addi %scan3A_2, %scan3A_3 : i32
    %scan3A_5 = arith.constant 1 : i32
    %scan3A_6 = scf.for %scan3A_49 = %scan3A_2 to %scan3A_4 step %scan3A_5 iter_args(%scan3A_50 = %scan3A) -> (i32)  : i32 {
      %swap3A = arith.index_cast %scan3A_49 : i32 to index
      %swap3A_51 = arith.constant 0 : index
      %swap3A_52 = tpu.vector_load %arg5[%swap3A, %swap3A_51] {strides = array<i32>} : memref<128x16xf32, #tpu.memory_space<vmem>>, vector<1x16xf32>,
      %swap3A_53 = vector.shape_cast %swap3A_52 : vector<1x16xf32> to vector<16xf32>
      %swap3A_54 = vector.shape_cast %broadcast_in_dim3A_1 : vector<16xf32> to vector<1x16xf32>
      tpu.vector_store %arg5[%swap3A, %swap3A_51], %swap3A_54 {strides = array<i32>} : memref<128x16xf32, #tpu.memory_space<vmem>>, vector<1x16xf32>,
      %scan3A_55 = arith.constant 0 : i32
      scf.yield %scan3A_55 : i32
    }
    %scan3A_7 = arith.constant 128 : i32
    %broadcast_in_dim3A_8 = arith.constant 0.000000e+00 : f32
    %broadcast_in_dim3A_9 = vector.broadcast %broadcast_in_dim3A_8 : f32 to vector<16xf32>
    %scan3A_10 = arith.constant 0 : i32
    %scan3A_11 = arith.constant 0 : i32
    %scan3A_12 = arith.constant 128 : i32
    %scan3A_13 = arith.addi %scan3A_11, %scan3A_12 : i32
    %scan3A_14 = arith.constant 1 : i32
    %scan3A_15 = scf.for %scan3A_49 = %scan3A_11 to %scan3A_13 step %scan3A_14 iter_args(%scan3A_50 = %scan3A_10) -> (i32)  : i32 {
      %swap3A = arith.index_cast %scan3A_49 : i32 to index
      %swap3A_51 = arith.constant 0 : index
      %swap3A_52 = tpu.vector_load %arg6[%swap3A, %swap3A_51] {strides = array<i32>} : memref<128x16xf32, #tpu.memory_space<vmem>>, vector<1x16xf32>,
      %swap3A_53 = vector.shape_cast %swap3A_52 : vector<1x16xf32> to vector<16xf32>
      %swap3A_54 = vector.shape_cast %broadcast_in_dim3A_9 : vector<16xf32> to vector<1x16xf32>
      tpu.vector_store %arg6[%swap3A, %swap3A_51], %swap3A_54 {strides = array<i32>} : memref<128x16xf32, #tpu.memory_space<vmem>>, vector<1x16xf32>,
      %scan3A_55 = arith.constant 0 : i32
      scf.yield %scan3A_55 : i32
    }
    %scan3A_16 = arith.constant 128 : i32
    %mul3A_17 = arith.constant 640 : i32
    %mul3A_18 = arith.muli %arg1, %mul3A_17 : i32
    %add3A_19 = arith.constant 0 : i32
    %add3A_20 = arith.addi %mul3A_18, %add3A_19 : i32
    "tpu.region"() ({
      %run_scoped3A = tpu.sem_alloc : memref<!tpu.dma_semaphore, #tpu.memory_space<semaphore_mem>>
      %dma_start3A = arith.constant 0 : i32
      %dma_start3A_49 = tpu.memref_slice %arg7[%add3A_20, %dma_start3A] : memref<10240x16xf32, #tpu.memory_space<vmem_shared>> -> memref<128x16xf32, #tpu.memory_space<vmem_shared>>
      %dma_start3A_50 = arith.constant 0 : i32
      %dma_start3A_51 = tpu.memref_slice %arg7[%add3A_20, %dma_start3A_50] : memref<10240x16xf32, #tpu.memory_space<vmem_shared>> -> memref<128x16xf32, #tpu.memory_space<vmem_shared>>
      tpu.enqueue_dma source(%arg6 : memref<128x16xf32, #tpu.memory_space<vmem>>) target(%dma_start3A_51 : memref<128x16xf32, #tpu.memory_space<vmem_shared>>) target_semaphore(%run_scoped3A : memref<!tpu.dma_semaphore, #tpu.memory_space<semaphore_mem>>)
      %dma_wait3A = arith.constant 0 : i32
      %dma_wait3A_52 = tpu.memref_slice %arg7[%add3A_20, %dma_wait3A] : memref<10240x16xf32, #tpu.memory_space<vmem_shared>> -> memref<128x16xf32, #tpu.memory_space<vmem_shared>>
      %dma_wait3A_53 = arith.constant 0 : i32
      %dma_wait3A_54 = tpu.memref_slice %arg7[%add3A_20, %dma_wait3A_53] : memref<10240x16xf32, #tpu.memory_space<vmem_shared>> -> memref<128x16xf32, #tpu.memory_space<vmem_shared>>
      tpu.wait_dma2 semaphore(%run_scoped3A : memref<!tpu.dma_semaphore, #tpu.memory_space<semaphore_mem>>) src(%arg6 : memref<128x16xf32, #tpu.memory_space<vmem>>) dst(%dma_wait3A_54 : memref<128x16xf32, #tpu.memory_space<vmem_shared>>)
      tpu.yield
    }) : () -> ()
    %mul3A_21 = arith.constant 640 : i32
    %mul3A_22 = arith.muli %arg1, %mul3A_21 : i32
    %add3A_23 = arith.constant 128 : i32
    %add3A_24 = arith.addi %mul3A_22, %add3A_23 : i32
    "tpu.region"() ({
      %run_scoped3A = tpu.sem_alloc : memref<!tpu.dma_semaphore, #tpu.memory_space<semaphore_mem>>
      %dma_start3A = arith.constant 0 : i32
      %dma_start3A_49 = tpu.memref_slice %arg7[%add3A_24, %dma_start3A] : memref<10240x16xf32, #tpu.memory_space<vmem_shared>> -> memref<128x16xf32, #tpu.memory_space<vmem_shared>>
      %dma_start3A_50 = arith.constant 0 : i32
      %dma_start3A_51 = tpu.memref_slice %arg7[%add3A_24, %dma_start3A_50] : memref<10240x16xf32, #tpu.memory_space<vmem_shared>> -> memref<128x16xf32, #tpu.memory_space<vmem_shared>>
      tpu.enqueue_dma source(%arg6 : memref<128x16xf32, #tpu.memory_space<vmem>>) target(%dma_start3A_51 : memref<128x16xf32, #tpu.memory_space<vmem_shared>>) target_semaphore(%run_scoped3A : memref<!tpu.dma_semaphore, #tpu.memory_space<semaphore_mem>>)
      %dma_wait3A = arith.constant 0 : i32
      %dma_wait3A_52 = tpu.memref_slice %arg7[%add3A_24, %dma_wait3A] : memref<10240x16xf32, #tpu.memory_space<vmem_shared>> -> memref<128x16xf32, #tpu.memory_space<vmem_shared>>
      %dma_wait3A_53 = arith.constant 0 : i32
      %dma_wait3A_54 = tpu.memref_slice %arg7[%add3A_24, %dma_wait3A_53] : memref<10240x16xf32, #tpu.memory_space<vmem_shared>> -> memref<128x16xf32, #tpu.memory_space<vmem_shared>>
      tpu.wait_dma2 semaphore(%run_scoped3A : memref<!tpu.dma_semaphore, #tpu.memory_space<semaphore_mem>>) src(%arg6 : memref<128x16xf32, #tpu.memory_space<vmem>>) dst(%dma_wait3A_54 : memref<128x16xf32, #tpu.memory_space<vmem_shared>>)
      tpu.yield
    }) : () -> ()
    %mul3A_25 = arith.constant 640 : i32
    %mul3A_26 = arith.muli %arg1, %mul3A_25 : i32
    %add3A_27 = arith.constant 256 : i32
    %add3A_28 = arith.addi %mul3A_26, %add3A_27 : i32
    "tpu.region"() ({
      %run_scoped3A = tpu.sem_alloc : memref<!tpu.dma_semaphore, #tpu.memory_space<semaphore_mem>>
      %dma_start3A = arith.constant 0 : i32
      %dma_start3A_49 = tpu.memref_slice %arg7[%add3A_28, %dma_start3A] : memref<10240x16xf32, #tpu.memory_space<vmem_shared>> -> memref<128x16xf32, #tpu.memory_space<vmem_shared>>
      %dma_start3A_50 = arith.constant 0 : i32
      %dma_start3A_51 = tpu.memref_slice %arg7[%add3A_28, %dma_start3A_50] : memref<10240x16xf32, #tpu.memory_space<vmem_shared>> -> memref<128x16xf32, #tpu.memory_space<vmem_shared>>
      tpu.enqueue_dma source(%arg6 : memref<128x16xf32, #tpu.memory_space<vmem>>) target(%dma_start3A_51 : memref<128x16xf32, #tpu.memory_space<vmem_shared>>) target_semaphore(%run_scoped3A : memref<!tpu.dma_semaphore, #tpu.memory_space<semaphore_mem>>)
      %dma_wait3A = arith.constant 0 : i32
      %dma_wait3A_52 = tpu.memref_slice %arg7[%add3A_28, %dma_wait3A] : memref<10240x16xf32, #tpu.memory_space<vmem_shared>> -> memref<128x16xf32, #tpu.memory_space<vmem_shared>>
      %dma_wait3A_53 = arith.constant 0 : i32
      %dma_wait3A_54 = tpu.memref_slice %arg7[%add3A_28, %dma_wait3A_53] : memref<10240x16xf32, #tpu.memory_space<vmem_shared>> -> memref<128x16xf32, #tpu.memory_space<vmem_shared>>
      tpu.wait_dma2 semaphore(%run_scoped3A : memref<!tpu.dma_semaphore, #tpu.memory_space<semaphore_mem>>) src(%arg6 : memref<128x16xf32, #tpu.memory_space<vmem>>) dst(%dma_wait3A_54 : memref<128x16xf32, #tpu.memory_space<vmem_shared>>)
      tpu.yield
    }) : () -> ()
    %mul3A_29 = arith.constant 640 : i32
    %mul3A_30 = arith.muli %arg1, %mul3A_29 : i32
    %add3A_31 = arith.constant 384 : i32
    %add3A_32 = arith.addi %mul3A_30, %add3A_31 : i32
    "tpu.region"() ({
      %run_scoped3A = tpu.sem_alloc : memref<!tpu.dma_semaphore, #tpu.memory_space<semaphore_mem>>
      %dma_start3A = arith.constant 0 : i32
      %dma_start3A_49 = tpu.memref_slice %arg7[%add3A_32, %dma_start3A] : memref<10240x16xf32, #tpu.memory_space<vmem_shared>> -> memref<128x16xf32, #tpu.memory_space<vmem_shared>>
      %dma_start3A_50 = arith.constant 0 : i32
      %dma_start3A_51 = tpu.memref_slice %arg7[%add3A_32, %dma_start3A_50] : memref<10240x16xf32, #tpu.memory_space<vmem_shared>> -> memref<128x16xf32, #tpu.memory_space<vmem_shared>>
      tpu.enqueue_dma source(%arg6 : memref<128x16xf32, #tpu.memory_space<vmem>>) target(%dma_start3A_51 : memref<128x16xf32, #tpu.memory_space<vmem_shared>>) target_semaphore(%run_scoped3A : memref<!tpu.dma_semaphore, #tpu.memory_space<semaphore_mem>>)
      %dma_wait3A = arith.constant 0 : i32
      %dma_wait3A_52 = tpu.memref_slice %arg7[%add3A_32, %dma_wait3A] : memref<10240x16xf32, #tpu.memory_space<vmem_shared>> -> memref<128x16xf32, #tpu.memory_space<vmem_shared>>
      %dma_wait3A_53 = arith.constant 0 : i32
      %dma_wait3A_54 = tpu.memref_slice %arg7[%add3A_32, %dma_wait3A_53] : memref<10240x16xf32, #tpu.memory_space<vmem_shared>> -> memref<128x16xf32, #tpu.memory_space<vmem_shared>>
      tpu.wait_dma2 semaphore(%run_scoped3A : memref<!tpu.dma_semaphore, #tpu.memory_space<semaphore_mem>>) src(%arg6 : memref<128x16xf32, #tpu.memory_space<vmem>>) dst(%dma_wait3A_54 : memref<128x16xf32, #tpu.memory_space<vmem_shared>>)
      tpu.yield
    }) : () -> ()
    %mul3A_33 = arith.constant 640 : i32
    %mul3A_34 = arith.muli %arg1, %mul3A_33 : i32
    %add3A_35 = arith.constant 512 : i32
    %add3A_36 = arith.addi %mul3A_34, %add3A_35 : i32
    "tpu.region"() ({
      %run_scoped3A = tpu.sem_alloc : memref<!tpu.dma_semaphore, #tpu.memory_space<semaphore_mem>>
      %dma_start3A = arith.constant 0 : i32
      %dma_start3A_49 = tpu.memref_slice %arg7[%add3A_36, %dma_start3A] : memref<10240x16xf32, #tpu.memory_space<vmem_shared>> -> memref<128x16xf32, #tpu.memory_space<vmem_shared>>
      %dma_start3A_50 = arith.constant 0 : i32
      %dma_start3A_51 = tpu.memref_slice %arg7[%add3A_36, %dma_start3A_50] : memref<10240x16xf32, #tpu.memory_space<vmem_shared>> -> memref<128x16xf32, #tpu.memory_space<vmem_shared>>
      tpu.enqueue_dma source(%arg6 : memref<128x16xf32, #tpu.memory_space<vmem>>) target(%dma_start3A_51 : memref<128x16xf32, #tpu.memory_space<vmem_shared>>) target_semaphore(%run_scoped3A : memref<!tpu.dma_semaphore, #tpu.memory_space<semaphore_mem>>)
      %dma_wait3A = arith.constant 0 : i32
      %dma_wait3A_52 = tpu.memref_slice %arg7[%add3A_36, %dma_wait3A] : memref<10240x16xf32, #tpu.memory_space<vmem_shared>> -> memref<128x16xf32, #tpu.memory_space<vmem_shared>>
      %dma_wait3A_53 = arith.constant 0 : i32
      %dma_wait3A_54 = tpu.memref_slice %arg7[%add3A_36, %dma_wait3A_53] : memref<10240x16xf32, #tpu.memory_space<vmem_shared>> -> memref<128x16xf32, #tpu.memory_space<vmem_shared>>
      tpu.wait_dma2 semaphore(%run_scoped3A : memref<!tpu.dma_semaphore, #tpu.memory_space<semaphore_mem>>) src(%arg6 : memref<128x16xf32, #tpu.memory_space<vmem>>) dst(%dma_wait3A_54 : memref<128x16xf32, #tpu.memory_space<vmem_shared>>)
      tpu.yield
    }) : () -> ()
    %barrier3A = arith.constant 0 : index
    tpu.barrier barrier_id(%barrier3A)
    "tpu.region"() ({
      %run_scoped3A = tpu.sem_alloc : memref<!tpu.dma_semaphore, #tpu.memory_space<semaphore_mem>>
      %dma_start3A = arith.constant 0 : i32
      %dma_start3A_49 = arith.constant 0 : i32
      %dma_start3A_50 = tpu.memref_slice %arg2[%add3A, %dma_start3A, %dma_start3A_49] : memref<32x80x128xi32, #tpu.memory_space<hbm>> -> memref<1x80x128xi32, #tpu.memory_space<hbm>>
      %dma_start3A_51 = tpu.memref_squeeze %dma_start3A_50 : memref<1x80x128xi32, #tpu.memory_space<hbm>> -> memref<80x128xi32, #tpu.memory_space<hbm>>
      %dma_start3A_52 = arith.constant 0 : i32
      %dma_start3A_53 = arith.constant 0 : i32
      %dma_start3A_54 = tpu.memref_slice %arg2[%add3A, %dma_start3A_52, %dma_start3A_53] : memref<32x80x128xi32, #tpu.memory_space<hbm>> -> memref<1x80x128xi32, #tpu.memory_space<hbm>>
      %dma_start3A_55 = tpu.memref_squeeze %dma_start3A_54 : memref<1x80x128xi32, #tpu.memory_space<hbm>> -> memref<80x128xi32, #tpu.memory_space<hbm>>
      tpu.enqueue_dma source(%dma_start3A_55 : memref<80x128xi32, #tpu.memory_space<hbm>>) target(%arg4 : memref<80x128xi32, #tpu.memory_space<vmem>>) target_semaphore(%run_scoped3A : memref<!tpu.dma_semaphore, #tpu.memory_space<semaphore_mem>>)
      %dma_wait3A = arith.constant 0 : i32
      %dma_wait3A_56 = arith.constant 0 : i32
      %dma_wait3A_57 = tpu.memref_slice %arg2[%add3A, %dma_wait3A, %dma_wait3A_56] : memref<32x80x128xi32, #tpu.memory_space<hbm>> -> memref<1x80x128xi32, #tpu.memory_space<hbm>>
      %dma_wait3A_58 = tpu.memref_squeeze %dma_wait3A_57 : memref<1x80x128xi32, #tpu.memory_space<hbm>> -> memref<80x128xi32, #tpu.memory_space<hbm>>
      %dma_wait3A_59 = arith.constant 0 : i32
      %dma_wait3A_60 = arith.constant 0 : i32
      %dma_wait3A_61 = tpu.memref_slice %arg2[%add3A, %dma_wait3A_59, %dma_wait3A_60] : memref<32x80x128xi32, #tpu.memory_space<hbm>> -> memref<1x80x128xi32, #tpu.memory_space<hbm>>
      %dma_wait3A_62 = tpu.memref_squeeze %dma_wait3A_61 : memref<1x80x128xi32, #tpu.memory_space<hbm>> -> memref<80x128xi32, #tpu.memory_space<hbm>>
      tpu.wait_dma2 semaphore(%run_scoped3A : memref<!tpu.dma_semaphore, #tpu.memory_space<semaphore_mem>>) src(%dma_wait3A_62 : memref<80x128xi32, #tpu.memory_space<hbm>>) dst(%arg4 : memref<80x128xi32, #tpu.memory_space<vmem>>)
      tpu.yield
    }) : () -> ()
    %scan3A_37 = arith.constant 0 : i32
    %scan3A_38 = arith.constant 0 : i32
    %scan3A_39 = arith.constant 80 : i32
    %scan3A_40 = arith.addi %scan3A_38, %scan3A_39 : i32
    %scan3A_41 = arith.constant 1 : i32
    %scan3A_42 = scf.for %scan3A_49 = %scan3A_38 to %scan3A_40 step %scan3A_41 iter_args(%scan3A_50 = %scan3A_37) -> (i32)  : i32 {
      "tpu.region"() ({
        %run_scoped3A = tpu.sem_alloc : memref<!tpu.dma_semaphore, #tpu.memory_space<semaphore_mem>>
        %dma_start3A = arith.constant 0 : i32
        %dma_start3A_52 = tpu.memref_slice %arg4[%scan3A_49, %dma_start3A] : memref<80x128xi32, #tpu.memory_space<vmem>> -> memref<1x128xi32, #tpu.memory_space<vmem>>
        %dma_start3A_53 = tpu.memref_squeeze %dma_start3A_52 : memref<1x128xi32, #tpu.memory_space<vmem>> -> memref<128xi32, #tpu.memory_space<vmem>>
        %dma_start3A_54 = arith.constant 0 : i32
        %dma_start3A_55 = arith.constant 0 : i32
        %dma_start3A_56 = tpu.memref_slice %arg7[%dma_start3A_54, %dma_start3A_55] : memref<10240x16xf32, #tpu.memory_space<vmem_shared>> -> memref<10240x16xf32, #tpu.memory_space<vmem_shared>>
        tpu.enqueue_indirect_dma source(%arg5 : memref<128x16xf32, #tpu.memory_space<vmem>>) target(%dma_start3A_56 : memref<10240x16xf32, #tpu.memory_space<vmem_shared>>) offsets(%dma_start3A_53 : memref<128xi32, #tpu.memory_space<vmem>>) semaphore(%run_scoped3A : memref<!tpu.dma_semaphore, #tpu.memory_space<semaphore_mem>>) {add = true}
        %dma_wait3A = arith.constant 0 : i32
        %dma_wait3A_57 = tpu.memref_slice %arg4[%scan3A_49, %dma_wait3A] : memref<80x128xi32, #tpu.memory_space<vmem>> -> memref<1x128xi32, #tpu.memory_space<vmem>>
        %dma_wait3A_58 = tpu.memref_squeeze %dma_wait3A_57 : memref<1x128xi32, #tpu.memory_space<vmem>> -> memref<128xi32, #tpu.memory_space<vmem>>
        %dma_wait3A_59 = arith.constant 0 : i32
        %dma_wait3A_60 = arith.constant 0 : i32
        %dma_wait3A_61 = tpu.memref_slice %arg7[%dma_wait3A_59, %dma_wait3A_60] : memref<10240x16xf32, #tpu.memory_space<vmem_shared>> -> memref<10240x16xf32, #tpu.memory_space<vmem_shared>>
        tpu.wait_indirect_dma semaphore(%run_scoped3A : memref<!tpu.dma_semaphore, #tpu.memory_space<semaphore_mem>>) src(%arg5 : memref<128x16xf32, #tpu.memory_space<vmem>>) dst(%dma_wait3A_61 : memref<10240x16xf32, #tpu.memory_space<vmem_shared>>)
        tpu.yield
      }) : () -> ()
      %scan3A_51 = arith.constant 0 : i32
      scf.yield %scan3A_51 : i32
    }
    %scan3A_43 = arith.constant 80 : i32
    %barrier3A_44 = arith.constant 0 : index
    tpu.barrier barrier_id(%barrier3A_44)
    %mul3A_45 = arith.constant 640 : i32
    %mul3A_46 = arith.muli %arg1, %mul3A_45 : i32
    %mul3A_47 = arith.constant 640 : i32
    %mul3A_48 = arith.muli %arg1, %mul3A_47 : i32
    "tpu.region"() ({
      %run_scoped3A = tpu.sem_alloc : memref<!tpu.dma_semaphore, #tpu.memory_space<semaphore_mem>>
      %dma_start3A = arith.constant 0 : i32
      %dma_start3A_49 = tpu.memref_slice %arg3[%arg0, %mul3A_48, %dma_start3A] : memref<2x10240x16xf32, #tpu.memory_space<hbm>> -> memref<1x640x16xf32, #tpu.memory_space<hbm>>
      %dma_start3A_50 = tpu.memref_squeeze %dma_start3A_49 : memref<1x640x16xf32, #tpu.memory_space<hbm>> -> memref<640x16xf32, #tpu.memory_space<hbm>>
      %dma_start3A_51 = arith.constant 0 : i32
      %dma_start3A_52 = tpu.memref_slice %arg7[%mul3A_46, %dma_start3A_51] : memref<10240x16xf32, #tpu.memory_space<vmem_shared>> -> memref<640x16xf32, #tpu.memory_space<vmem_shared>>
      tpu.enqueue_dma source(%dma_start3A_52 : memref<640x16xf32, #tpu.memory_space<vmem_shared>>) target(%dma_start3A_50 : memref<640x16xf32, #tpu.memory_space<hbm>>) target_semaphore(%run_scoped3A : memref<!tpu.dma_semaphore, #tpu.memory_space<semaphore_mem>>)
      %dma_wait3A = arith.constant 0 : i32
      %dma_wait3A_53 = tpu.memref_slice %arg3[%arg0, %mul3A_48, %dma_wait3A] : memref<2x10240x16xf32, #tpu.memory_space<hbm>> -> memref<1x640x16xf32, #tpu.memory_space<hbm>>
      %dma_wait3A_54 = tpu.memref_squeeze %dma_wait3A_53 : memref<1x640x16xf32, #tpu.memory_space<hbm>> -> memref<640x16xf32, #tpu.memory_space<hbm>>
      %dma_wait3A_55 = arith.constant 0 : i32
      %dma_wait3A_56 = tpu.memref_slice %arg7[%mul3A_46, %dma_wait3A_55] : memref<10240x16xf32, #tpu.memory_space<vmem_shared>> -> memref<640x16xf32, #tpu.memory_space<vmem_shared>>
      tpu.wait_dma2 semaphore(%run_scoped3A : memref<!tpu.dma_semaphore, #tpu.memory_space<semaphore_mem>>) src(%dma_wait3A_56 : memref<640x16xf32, #tpu.memory_space<vmem_shared>>) dst(%dma_wait3A_54 : memref<640x16xf32, #tpu.memory_space<hbm>>)
      tpu.yield
    }) : () -> ()
    return
  }
}

#map = affine_map<(d0, d1) -> (0, 0)>
#map1 = affine_map<(d0, d1) -> (0, 0, 0)>
module attributes {stable_mosaic.version = 14 : i64} {
  func.func @_scatter_kernel(%arg0: i32, %arg1: i32, %arg2: memref<10240x128xf32, #tpu.memory_space<hbm>>, %arg3: memref<32x80x128xi32, #tpu.memory_space<hbm>>, %arg4: memref<32x80x128xi32, #tpu.memory_space<hbm>>, %arg5: memref<2x10240x128xf32, #tpu.memory_space<hbm>>, %arg6: memref<80x128xi32, #tpu.memory_space<vmem>>, %arg7: memref<80x128xi32, #tpu.memory_space<vmem>>, %arg8: memref<128x128xf32, #tpu.memory_space<vmem>>, %arg9: memref<10240x128xf32, #tpu.memory_space<vmem_shared>>, %arg10: memref<!tpu.dma_semaphore, #tpu.memory_space<semaphore_mem>>) attributes {dimension_semantics = [#tpu.dimension_semantics<core_parallel>, #tpu.dimension_semantics<subcore_parallel>], iteration_bounds = array<i64: 2, 16>, scalar_prefetch = 0 : i64, scratch_operands = 5 : i64, tpu.core_type = #tpu.core_type<sc_vector_subcore>, window_params = [{transform_indices = #map}, {transform_indices = #map1}, {transform_indices = #map1}, {transform_indices = #map1}]} {
    %mul3A = arith.constant 16 : i32
    %mul3A_0 = arith.muli %arg0, %mul3A : i32
    %add3A = arith.addi %mul3A_0, %arg1 : i32
    %broadcast_in_dim3A = arith.constant 0.000000e+00 : f32
    %broadcast_in_dim3A_1 = vector.broadcast %broadcast_in_dim3A : f32 to vector<16xf32>
    %scan3A = arith.constant 0 : i32
    %scan3A_2 = arith.constant 0 : i32
    %scan3A_3 = arith.constant 128 : i32
    %scan3A_4 = arith.addi %scan3A_2, %scan3A_3 : i32
    %scan3A_5 = arith.constant 1 : i32
    %scan3A_6 = scf.for %scan3A_40 = %scan3A_2 to %scan3A_4 step %scan3A_5 iter_args(%scan3A_41 = %scan3A) -> (i32)  : i32 {
      %swap3A = arith.index_cast %scan3A_40 : i32 to index
      %swap3A_42 = arith.constant 0 : index
      %swap3A_43 = tpu.vector_load %arg8[%swap3A, %swap3A_42] {strides = array<i32>} : memref<128x128xf32, #tpu.memory_space<vmem>>, vector<1x16xf32>,
      %swap3A_44 = vector.shape_cast %swap3A_43 : vector<1x16xf32> to vector<16xf32>
      %swap3A_45 = vector.shape_cast %broadcast_in_dim3A_1 : vector<16xf32> to vector<1x16xf32>
      tpu.vector_store %arg8[%swap3A, %swap3A_42], %swap3A_45 {strides = array<i32>} : memref<128x128xf32, #tpu.memory_space<vmem>>, vector<1x16xf32>,
      %swap3A_46 = arith.index_cast %scan3A_40 : i32 to index
      %swap3A_47 = arith.constant 16 : index
      %swap3A_48 = tpu.vector_load %arg8[%swap3A_46, %swap3A_47] {strides = array<i32>} : memref<128x128xf32, #tpu.memory_space<vmem>>, vector<1x16xf32>,
      %swap3A_49 = vector.shape_cast %swap3A_48 : vector<1x16xf32> to vector<16xf32>
      %swap3A_50 = vector.shape_cast %broadcast_in_dim3A_1 : vector<16xf32> to vector<1x16xf32>
      tpu.vector_store %arg8[%swap3A_46, %swap3A_47], %swap3A_50 {strides = array<i32>} : memref<128x128xf32, #tpu.memory_space<vmem>>, vector<1x16xf32>,
      %swap3A_51 = arith.index_cast %scan3A_40 : i32 to index
      %swap3A_52 = arith.constant 32 : index
      %swap3A_53 = tpu.vector_load %arg8[%swap3A_51, %swap3A_52] {strides = array<i32>} : memref<128x128xf32, #tpu.memory_space<vmem>>, vector<1x16xf32>,
      %swap3A_54 = vector.shape_cast %swap3A_53 : vector<1x16xf32> to vector<16xf32>
      %swap3A_55 = vector.shape_cast %broadcast_in_dim3A_1 : vector<16xf32> to vector<1x16xf32>
      tpu.vector_store %arg8[%swap3A_51, %swap3A_52], %swap3A_55 {strides = array<i32>} : memref<128x128xf32, #tpu.memory_space<vmem>>, vector<1x16xf32>,
      %swap3A_56 = arith.index_cast %scan3A_40 : i32 to index
      %swap3A_57 = arith.constant 48 : index
      %swap3A_58 = tpu.vector_load %arg8[%swap3A_56, %swap3A_57] {strides = array<i32>} : memref<128x128xf32, #tpu.memory_space<vmem>>, vector<1x16xf32>,
      %swap3A_59 = vector.shape_cast %swap3A_58 : vector<1x16xf32> to vector<16xf32>
      %swap3A_60 = vector.shape_cast %broadcast_in_dim3A_1 : vector<16xf32> to vector<1x16xf32>
      tpu.vector_store %arg8[%swap3A_56, %swap3A_57], %swap3A_60 {strides = array<i32>} : memref<128x128xf32, #tpu.memory_space<vmem>>, vector<1x16xf32>,
      %swap3A_61 = arith.index_cast %scan3A_40 : i32 to index
      %swap3A_62 = arith.constant 64 : index
      %swap3A_63 = tpu.vector_load %arg8[%swap3A_61, %swap3A_62] {strides = array<i32>} : memref<128x128xf32, #tpu.memory_space<vmem>>, vector<1x16xf32>,
      %swap3A_64 = vector.shape_cast %swap3A_63 : vector<1x16xf32> to vector<16xf32>
      %swap3A_65 = vector.shape_cast %broadcast_in_dim3A_1 : vector<16xf32> to vector<1x16xf32>
      tpu.vector_store %arg8[%swap3A_61, %swap3A_62], %swap3A_65 {strides = array<i32>} : memref<128x128xf32, #tpu.memory_space<vmem>>, vector<1x16xf32>,
      %swap3A_66 = arith.index_cast %scan3A_40 : i32 to index
      %swap3A_67 = arith.constant 80 : index
      %swap3A_68 = tpu.vector_load %arg8[%swap3A_66, %swap3A_67] {strides = array<i32>} : memref<128x128xf32, #tpu.memory_space<vmem>>, vector<1x16xf32>,
      %swap3A_69 = vector.shape_cast %swap3A_68 : vector<1x16xf32> to vector<16xf32>
      %swap3A_70 = vector.shape_cast %broadcast_in_dim3A_1 : vector<16xf32> to vector<1x16xf32>
      tpu.vector_store %arg8[%swap3A_66, %swap3A_67], %swap3A_70 {strides = array<i32>} : memref<128x128xf32, #tpu.memory_space<vmem>>, vector<1x16xf32>,
      %swap3A_71 = arith.index_cast %scan3A_40 : i32 to index
      %swap3A_72 = arith.constant 96 : index
      %swap3A_73 = tpu.vector_load %arg8[%swap3A_71, %swap3A_72] {strides = array<i32>} : memref<128x128xf32, #tpu.memory_space<vmem>>, vector<1x16xf32>,
      %swap3A_74 = vector.shape_cast %swap3A_73 : vector<1x16xf32> to vector<16xf32>
      %swap3A_75 = vector.shape_cast %broadcast_in_dim3A_1 : vector<16xf32> to vector<1x16xf32>
      tpu.vector_store %arg8[%swap3A_71, %swap3A_72], %swap3A_75 {strides = array<i32>} : memref<128x128xf32, #tpu.memory_space<vmem>>, vector<1x16xf32>,
      %swap3A_76 = arith.index_cast %scan3A_40 : i32 to index
      %swap3A_77 = arith.constant 112 : index
      %swap3A_78 = tpu.vector_load %arg8[%swap3A_76, %swap3A_77] {strides = array<i32>} : memref<128x128xf32, #tpu.memory_space<vmem>>, vector<1x16xf32>,
      %swap3A_79 = vector.shape_cast %swap3A_78 : vector<1x16xf32> to vector<16xf32>
      %swap3A_80 = vector.shape_cast %broadcast_in_dim3A_1 : vector<16xf32> to vector<1x16xf32>
      tpu.vector_store %arg8[%swap3A_76, %swap3A_77], %swap3A_80 {strides = array<i32>} : memref<128x128xf32, #tpu.memory_space<vmem>>, vector<1x16xf32>,
      %scan3A_81 = arith.constant 0 : i32
      scf.yield %scan3A_81 : i32
    }
    %scan3A_7 = arith.constant 128 : i32
    %mul3A_8 = arith.constant 640 : i32
    %mul3A_9 = arith.muli %arg1, %mul3A_8 : i32
    %add3A_10 = arith.constant 0 : i32
    %add3A_11 = arith.addi %mul3A_9, %add3A_10 : i32
    "tpu.region"() ({
      %run_scoped3A = tpu.sem_alloc : memref<!tpu.dma_semaphore, #tpu.memory_space<semaphore_mem>>
      %dma_start3A = arith.constant 0 : i32
      %dma_start3A_40 = tpu.memref_slice %arg9[%add3A_11, %dma_start3A] : memref<10240x128xf32, #tpu.memory_space<vmem_shared>> -> memref<128x128xf32, #tpu.memory_space<vmem_shared>>
      %dma_start3A_41 = arith.constant 0 : i32
      %dma_start3A_42 = tpu.memref_slice %arg9[%add3A_11, %dma_start3A_41] : memref<10240x128xf32, #tpu.memory_space<vmem_shared>> -> memref<128x128xf32, #tpu.memory_space<vmem_shared>>
      tpu.enqueue_dma source(%arg8 : memref<128x128xf32, #tpu.memory_space<vmem>>) target(%dma_start3A_42 : memref<128x128xf32, #tpu.memory_space<vmem_shared>>) target_semaphore(%run_scoped3A : memref<!tpu.dma_semaphore, #tpu.memory_space<semaphore_mem>>)
      %dma_wait3A = arith.constant 0 : i32
      %dma_wait3A_43 = tpu.memref_slice %arg9[%add3A_11, %dma_wait3A] : memref<10240x128xf32, #tpu.memory_space<vmem_shared>> -> memref<128x128xf32, #tpu.memory_space<vmem_shared>>
      %dma_wait3A_44 = arith.constant 0 : i32
      %dma_wait3A_45 = tpu.memref_slice %arg9[%add3A_11, %dma_wait3A_44] : memref<10240x128xf32, #tpu.memory_space<vmem_shared>> -> memref<128x128xf32, #tpu.memory_space<vmem_shared>>
      tpu.wait_dma2 semaphore(%run_scoped3A : memref<!tpu.dma_semaphore, #tpu.memory_space<semaphore_mem>>) src(%arg8 : memref<128x128xf32, #tpu.memory_space<vmem>>) dst(%dma_wait3A_45 : memref<128x128xf32, #tpu.memory_space<vmem_shared>>)
      tpu.yield
    }) : () -> ()
    %mul3A_12 = arith.constant 640 : i32
    %mul3A_13 = arith.muli %arg1, %mul3A_12 : i32
    %add3A_14 = arith.constant 128 : i32
    %add3A_15 = arith.addi %mul3A_13, %add3A_14 : i32
    "tpu.region"() ({
      %run_scoped3A = tpu.sem_alloc : memref<!tpu.dma_semaphore, #tpu.memory_space<semaphore_mem>>
      %dma_start3A = arith.constant 0 : i32
      %dma_start3A_40 = tpu.memref_slice %arg9[%add3A_15, %dma_start3A] : memref<10240x128xf32, #tpu.memory_space<vmem_shared>> -> memref<128x128xf32, #tpu.memory_space<vmem_shared>>
      %dma_start3A_41 = arith.constant 0 : i32
      %dma_start3A_42 = tpu.memref_slice %arg9[%add3A_15, %dma_start3A_41] : memref<10240x128xf32, #tpu.memory_space<vmem_shared>> -> memref<128x128xf32, #tpu.memory_space<vmem_shared>>
      tpu.enqueue_dma source(%arg8 : memref<128x128xf32, #tpu.memory_space<vmem>>) target(%dma_start3A_42 : memref<128x128xf32, #tpu.memory_space<vmem_shared>>) target_semaphore(%run_scoped3A : memref<!tpu.dma_semaphore, #tpu.memory_space<semaphore_mem>>)
      %dma_wait3A = arith.constant 0 : i32
      %dma_wait3A_43 = tpu.memref_slice %arg9[%add3A_15, %dma_wait3A] : memref<10240x128xf32, #tpu.memory_space<vmem_shared>> -> memref<128x128xf32, #tpu.memory_space<vmem_shared>>
      %dma_wait3A_44 = arith.constant 0 : i32
      %dma_wait3A_45 = tpu.memref_slice %arg9[%add3A_15, %dma_wait3A_44] : memref<10240x128xf32, #tpu.memory_space<vmem_shared>> -> memref<128x128xf32, #tpu.memory_space<vmem_shared>>
      tpu.wait_dma2 semaphore(%run_scoped3A : memref<!tpu.dma_semaphore, #tpu.memory_space<semaphore_mem>>) src(%arg8 : memref<128x128xf32, #tpu.memory_space<vmem>>) dst(%dma_wait3A_45 : memref<128x128xf32, #tpu.memory_space<vmem_shared>>)
      tpu.yield
    }) : () -> ()
    %mul3A_16 = arith.constant 640 : i32
    %mul3A_17 = arith.muli %arg1, %mul3A_16 : i32
    %add3A_18 = arith.constant 256 : i32
    %add3A_19 = arith.addi %mul3A_17, %add3A_18 : i32
    "tpu.region"() ({
      %run_scoped3A = tpu.sem_alloc : memref<!tpu.dma_semaphore, #tpu.memory_space<semaphore_mem>>
      %dma_start3A = arith.constant 0 : i32
      %dma_start3A_40 = tpu.memref_slice %arg9[%add3A_19, %dma_start3A] : memref<10240x128xf32, #tpu.memory_space<vmem_shared>> -> memref<128x128xf32, #tpu.memory_space<vmem_shared>>
      %dma_start3A_41 = arith.constant 0 : i32
      %dma_start3A_42 = tpu.memref_slice %arg9[%add3A_19, %dma_start3A_41] : memref<10240x128xf32, #tpu.memory_space<vmem_shared>> -> memref<128x128xf32, #tpu.memory_space<vmem_shared>>
      tpu.enqueue_dma source(%arg8 : memref<128x128xf32, #tpu.memory_space<vmem>>) target(%dma_start3A_42 : memref<128x128xf32, #tpu.memory_space<vmem_shared>>) target_semaphore(%run_scoped3A : memref<!tpu.dma_semaphore, #tpu.memory_space<semaphore_mem>>)
      %dma_wait3A = arith.constant 0 : i32
      %dma_wait3A_43 = tpu.memref_slice %arg9[%add3A_19, %dma_wait3A] : memref<10240x128xf32, #tpu.memory_space<vmem_shared>> -> memref<128x128xf32, #tpu.memory_space<vmem_shared>>
      %dma_wait3A_44 = arith.constant 0 : i32
      %dma_wait3A_45 = tpu.memref_slice %arg9[%add3A_19, %dma_wait3A_44] : memref<10240x128xf32, #tpu.memory_space<vmem_shared>> -> memref<128x128xf32, #tpu.memory_space<vmem_shared>>
      tpu.wait_dma2 semaphore(%run_scoped3A : memref<!tpu.dma_semaphore, #tpu.memory_space<semaphore_mem>>) src(%arg8 : memref<128x128xf32, #tpu.memory_space<vmem>>) dst(%dma_wait3A_45 : memref<128x128xf32, #tpu.memory_space<vmem_shared>>)
      tpu.yield
    }) : () -> ()
    %mul3A_20 = arith.constant 640 : i32
    %mul3A_21 = arith.muli %arg1, %mul3A_20 : i32
    %add3A_22 = arith.constant 384 : i32
    %add3A_23 = arith.addi %mul3A_21, %add3A_22 : i32
    "tpu.region"() ({
      %run_scoped3A = tpu.sem_alloc : memref<!tpu.dma_semaphore, #tpu.memory_space<semaphore_mem>>
      %dma_start3A = arith.constant 0 : i32
      %dma_start3A_40 = tpu.memref_slice %arg9[%add3A_23, %dma_start3A] : memref<10240x128xf32, #tpu.memory_space<vmem_shared>> -> memref<128x128xf32, #tpu.memory_space<vmem_shared>>
      %dma_start3A_41 = arith.constant 0 : i32
      %dma_start3A_42 = tpu.memref_slice %arg9[%add3A_23, %dma_start3A_41] : memref<10240x128xf32, #tpu.memory_space<vmem_shared>> -> memref<128x128xf32, #tpu.memory_space<vmem_shared>>
      tpu.enqueue_dma source(%arg8 : memref<128x128xf32, #tpu.memory_space<vmem>>) target(%dma_start3A_42 : memref<128x128xf32, #tpu.memory_space<vmem_shared>>) target_semaphore(%run_scoped3A : memref<!tpu.dma_semaphore, #tpu.memory_space<semaphore_mem>>)
      %dma_wait3A = arith.constant 0 : i32
      %dma_wait3A_43 = tpu.memref_slice %arg9[%add3A_23, %dma_wait3A] : memref<10240x128xf32, #tpu.memory_space<vmem_shared>> -> memref<128x128xf32, #tpu.memory_space<vmem_shared>>
      %dma_wait3A_44 = arith.constant 0 : i32
      %dma_wait3A_45 = tpu.memref_slice %arg9[%add3A_23, %dma_wait3A_44] : memref<10240x128xf32, #tpu.memory_space<vmem_shared>> -> memref<128x128xf32, #tpu.memory_space<vmem_shared>>
      tpu.wait_dma2 semaphore(%run_scoped3A : memref<!tpu.dma_semaphore, #tpu.memory_space<semaphore_mem>>) src(%arg8 : memref<128x128xf32, #tpu.memory_space<vmem>>) dst(%dma_wait3A_45 : memref<128x128xf32, #tpu.memory_space<vmem_shared>>)
      tpu.yield
    }) : () -> ()
    %mul3A_24 = arith.constant 640 : i32
    %mul3A_25 = arith.muli %arg1, %mul3A_24 : i32
    %add3A_26 = arith.constant 512 : i32
    %add3A_27 = arith.addi %mul3A_25, %add3A_26 : i32
    "tpu.region"() ({
      %run_scoped3A = tpu.sem_alloc : memref<!tpu.dma_semaphore, #tpu.memory_space<semaphore_mem>>
      %dma_start3A = arith.constant 0 : i32
      %dma_start3A_40 = tpu.memref_slice %arg9[%add3A_27, %dma_start3A] : memref<10240x128xf32, #tpu.memory_space<vmem_shared>> -> memref<128x128xf32, #tpu.memory_space<vmem_shared>>
      %dma_start3A_41 = arith.constant 0 : i32
      %dma_start3A_42 = tpu.memref_slice %arg9[%add3A_27, %dma_start3A_41] : memref<10240x128xf32, #tpu.memory_space<vmem_shared>> -> memref<128x128xf32, #tpu.memory_space<vmem_shared>>
      tpu.enqueue_dma source(%arg8 : memref<128x128xf32, #tpu.memory_space<vmem>>) target(%dma_start3A_42 : memref<128x128xf32, #tpu.memory_space<vmem_shared>>) target_semaphore(%run_scoped3A : memref<!tpu.dma_semaphore, #tpu.memory_space<semaphore_mem>>)
      %dma_wait3A = arith.constant 0 : i32
      %dma_wait3A_43 = tpu.memref_slice %arg9[%add3A_27, %dma_wait3A] : memref<10240x128xf32, #tpu.memory_space<vmem_shared>> -> memref<128x128xf32, #tpu.memory_space<vmem_shared>>
      %dma_wait3A_44 = arith.constant 0 : i32
      %dma_wait3A_45 = tpu.memref_slice %arg9[%add3A_27, %dma_wait3A_44] : memref<10240x128xf32, #tpu.memory_space<vmem_shared>> -> memref<128x128xf32, #tpu.memory_space<vmem_shared>>
      tpu.wait_dma2 semaphore(%run_scoped3A : memref<!tpu.dma_semaphore, #tpu.memory_space<semaphore_mem>>) src(%arg8 : memref<128x128xf32, #tpu.memory_space<vmem>>) dst(%dma_wait3A_45 : memref<128x128xf32, #tpu.memory_space<vmem_shared>>)
      tpu.yield
    }) : () -> ()
    %barrier3A = arith.constant 0 : index
    tpu.barrier barrier_id(%barrier3A)
    "tpu.region"() ({
      %run_scoped3A = tpu.sem_alloc : memref<!tpu.dma_semaphore, #tpu.memory_space<semaphore_mem>>
      %dma_start3A = arith.constant 0 : i32
      %dma_start3A_40 = arith.constant 0 : i32
      %dma_start3A_41 = tpu.memref_slice %arg3[%add3A, %dma_start3A, %dma_start3A_40] : memref<32x80x128xi32, #tpu.memory_space<hbm>> -> memref<1x80x128xi32, #tpu.memory_space<hbm>>
      %dma_start3A_42 = tpu.memref_squeeze %dma_start3A_41 : memref<1x80x128xi32, #tpu.memory_space<hbm>> -> memref<80x128xi32, #tpu.memory_space<hbm>>
      %dma_start3A_43 = arith.constant 0 : i32
      %dma_start3A_44 = arith.constant 0 : i32
      %dma_start3A_45 = tpu.memref_slice %arg3[%add3A, %dma_start3A_43, %dma_start3A_44] : memref<32x80x128xi32, #tpu.memory_space<hbm>> -> memref<1x80x128xi32, #tpu.memory_space<hbm>>
      %dma_start3A_46 = tpu.memref_squeeze %dma_start3A_45 : memref<1x80x128xi32, #tpu.memory_space<hbm>> -> memref<80x128xi32, #tpu.memory_space<hbm>>
      tpu.enqueue_dma source(%dma_start3A_46 : memref<80x128xi32, #tpu.memory_space<hbm>>) target(%arg6 : memref<80x128xi32, #tpu.memory_space<vmem>>) target_semaphore(%run_scoped3A : memref<!tpu.dma_semaphore, #tpu.memory_space<semaphore_mem>>)
      %dma_wait3A = arith.constant 0 : i32
      %dma_wait3A_47 = arith.constant 0 : i32
      %dma_wait3A_48 = tpu.memref_slice %arg3[%add3A, %dma_wait3A, %dma_wait3A_47] : memref<32x80x128xi32, #tpu.memory_space<hbm>> -> memref<1x80x128xi32, #tpu.memory_space<hbm>>
      %dma_wait3A_49 = tpu.memref_squeeze %dma_wait3A_48 : memref<1x80x128xi32, #tpu.memory_space<hbm>> -> memref<80x128xi32, #tpu.memory_space<hbm>>
      %dma_wait3A_50 = arith.constant 0 : i32
      %dma_wait3A_51 = arith.constant 0 : i32
      %dma_wait3A_52 = tpu.memref_slice %arg3[%add3A, %dma_wait3A_50, %dma_wait3A_51] : memref<32x80x128xi32, #tpu.memory_space<hbm>> -> memref<1x80x128xi32, #tpu.memory_space<hbm>>
      %dma_wait3A_53 = tpu.memref_squeeze %dma_wait3A_52 : memref<1x80x128xi32, #tpu.memory_space<hbm>> -> memref<80x128xi32, #tpu.memory_space<hbm>>
      tpu.wait_dma2 semaphore(%run_scoped3A : memref<!tpu.dma_semaphore, #tpu.memory_space<semaphore_mem>>) src(%dma_wait3A_53 : memref<80x128xi32, #tpu.memory_space<hbm>>) dst(%arg6 : memref<80x128xi32, #tpu.memory_space<vmem>>)
      tpu.yield
    }) : () -> ()
    "tpu.region"() ({
      %run_scoped3A = tpu.sem_alloc : memref<!tpu.dma_semaphore, #tpu.memory_space<semaphore_mem>>
      %dma_start3A = arith.constant 0 : i32
      %dma_start3A_40 = arith.constant 0 : i32
      %dma_start3A_41 = tpu.memref_slice %arg4[%add3A, %dma_start3A, %dma_start3A_40] : memref<32x80x128xi32, #tpu.memory_space<hbm>> -> memref<1x80x128xi32, #tpu.memory_space<hbm>>
      %dma_start3A_42 = tpu.memref_squeeze %dma_start3A_41 : memref<1x80x128xi32, #tpu.memory_space<hbm>> -> memref<80x128xi32, #tpu.memory_space<hbm>>
      %dma_start3A_43 = arith.constant 0 : i32
      %dma_start3A_44 = arith.constant 0 : i32
      %dma_start3A_45 = tpu.memref_slice %arg4[%add3A, %dma_start3A_43, %dma_start3A_44] : memref<32x80x128xi32, #tpu.memory_space<hbm>> -> memref<1x80x128xi32, #tpu.memory_space<hbm>>
      %dma_start3A_46 = tpu.memref_squeeze %dma_start3A_45 : memref<1x80x128xi32, #tpu.memory_space<hbm>> -> memref<80x128xi32, #tpu.memory_space<hbm>>
      tpu.enqueue_dma source(%dma_start3A_46 : memref<80x128xi32, #tpu.memory_space<hbm>>) target(%arg7 : memref<80x128xi32, #tpu.memory_space<vmem>>) target_semaphore(%run_scoped3A : memref<!tpu.dma_semaphore, #tpu.memory_space<semaphore_mem>>)
      %dma_wait3A = arith.constant 0 : i32
      %dma_wait3A_47 = arith.constant 0 : i32
      %dma_wait3A_48 = tpu.memref_slice %arg4[%add3A, %dma_wait3A, %dma_wait3A_47] : memref<32x80x128xi32, #tpu.memory_space<hbm>> -> memref<1x80x128xi32, #tpu.memory_space<hbm>>
      %dma_wait3A_49 = tpu.memref_squeeze %dma_wait3A_48 : memref<1x80x128xi32, #tpu.memory_space<hbm>> -> memref<80x128xi32, #tpu.memory_space<hbm>>
      %dma_wait3A_50 = arith.constant 0 : i32
      %dma_wait3A_51 = arith.constant 0 : i32
      %dma_wait3A_52 = tpu.memref_slice %arg4[%add3A, %dma_wait3A_50, %dma_wait3A_51] : memref<32x80x128xi32, #tpu.memory_space<hbm>> -> memref<1x80x128xi32, #tpu.memory_space<hbm>>
      %dma_wait3A_53 = tpu.memref_squeeze %dma_wait3A_52 : memref<1x80x128xi32, #tpu.memory_space<hbm>> -> memref<80x128xi32, #tpu.memory_space<hbm>>
      tpu.wait_dma2 semaphore(%run_scoped3A : memref<!tpu.dma_semaphore, #tpu.memory_space<semaphore_mem>>) src(%dma_wait3A_53 : memref<80x128xi32, #tpu.memory_space<hbm>>) dst(%arg7 : memref<80x128xi32, #tpu.memory_space<vmem>>)
      tpu.yield
    }) : () -> ()
    %scan3A_28 = arith.constant 0 : i32
    %scan3A_29 = arith.constant 0 : i32
    %scan3A_30 = arith.constant 80 : i32
    %scan3A_31 = arith.addi %scan3A_29, %scan3A_30 : i32
    %scan3A_32 = arith.constant 1 : i32
    %scan3A_33 = scf.for %scan3A_40 = %scan3A_29 to %scan3A_31 step %scan3A_32 iter_args(%scan3A_41 = %scan3A_28) -> (i32)  : i32 {
      %dma_start3A = arith.constant 0 : i32
      %dma_start3A_42 = tpu.memref_slice %arg6[%scan3A_40, %dma_start3A] : memref<80x128xi32, #tpu.memory_space<vmem>> -> memref<1x128xi32, #tpu.memory_space<vmem>>
      %dma_start3A_43 = tpu.memref_squeeze %dma_start3A_42 : memref<1x128xi32, #tpu.memory_space<vmem>> -> memref<128xi32, #tpu.memory_space<vmem>>
      %dma_start3A_44 = arith.constant 0 : i32
      %dma_start3A_45 = arith.constant 0 : i32
      %dma_start3A_46 = tpu.memref_slice %arg2[%dma_start3A_44, %dma_start3A_45] : memref<10240x128xf32, #tpu.memory_space<hbm>> -> memref<10240x128xf32, #tpu.memory_space<hbm>>
      tpu.enqueue_indirect_dma source(%dma_start3A_46 : memref<10240x128xf32, #tpu.memory_space<hbm>>) target(%arg8 : memref<128x128xf32, #tpu.memory_space<vmem>>) offsets(%dma_start3A_43 : memref<128xi32, #tpu.memory_space<vmem>>) semaphore(%arg10 : memref<!tpu.dma_semaphore, #tpu.memory_space<semaphore_mem>>)
      %dma_wait3A = arith.constant 0 : i32
      %dma_wait3A_47 = tpu.memref_slice %arg6[%scan3A_40, %dma_wait3A] : memref<80x128xi32, #tpu.memory_space<vmem>> -> memref<1x128xi32, #tpu.memory_space<vmem>>
      %dma_wait3A_48 = tpu.memref_squeeze %dma_wait3A_47 : memref<1x128xi32, #tpu.memory_space<vmem>> -> memref<128xi32, #tpu.memory_space<vmem>>
      %dma_wait3A_49 = arith.constant 0 : i32
      %dma_wait3A_50 = arith.constant 0 : i32
      %dma_wait3A_51 = tpu.memref_slice %arg2[%dma_wait3A_49, %dma_wait3A_50] : memref<10240x128xf32, #tpu.memory_space<hbm>> -> memref<10240x128xf32, #tpu.memory_space<hbm>>
      tpu.wait_indirect_dma semaphore(%arg10 : memref<!tpu.dma_semaphore, #tpu.memory_space<semaphore_mem>>) src(%dma_wait3A_51 : memref<10240x128xf32, #tpu.memory_space<hbm>>) dst(%arg8 : memref<128x128xf32, #tpu.memory_space<vmem>>)
      "tpu.region"() ({
        %run_scoped3A = tpu.sem_alloc : memref<!tpu.dma_semaphore, #tpu.memory_space<semaphore_mem>>
        %dma_start3A_53 = arith.constant 0 : i32
        %dma_start3A_54 = tpu.memref_slice %arg7[%scan3A_40, %dma_start3A_53] : memref<80x128xi32, #tpu.memory_space<vmem>> -> memref<1x128xi32, #tpu.memory_space<vmem>>
        %dma_start3A_55 = tpu.memref_squeeze %dma_start3A_54 : memref<1x128xi32, #tpu.memory_space<vmem>> -> memref<128xi32, #tpu.memory_space<vmem>>
        %dma_start3A_56 = arith.constant 0 : i32
        %dma_start3A_57 = arith.constant 0 : i32
        %dma_start3A_58 = tpu.memref_slice %arg9[%dma_start3A_56, %dma_start3A_57] : memref<10240x128xf32, #tpu.memory_space<vmem_shared>> -> memref<10240x128xf32, #tpu.memory_space<vmem_shared>>
        tpu.enqueue_indirect_dma source(%arg8 : memref<128x128xf32, #tpu.memory_space<vmem>>) target(%dma_start3A_58 : memref<10240x128xf32, #tpu.memory_space<vmem_shared>>) offsets(%dma_start3A_55 : memref<128xi32, #tpu.memory_space<vmem>>) semaphore(%run_scoped3A : memref<!tpu.dma_semaphore, #tpu.memory_space<semaphore_mem>>) {add = true}
        %dma_wait3A_59 = arith.constant 0 : i32
        %dma_wait3A_60 = tpu.memref_slice %arg7[%scan3A_40, %dma_wait3A_59] : memref<80x128xi32, #tpu.memory_space<vmem>> -> memref<1x128xi32, #tpu.memory_space<vmem>>
        %dma_wait3A_61 = tpu.memref_squeeze %dma_wait3A_60 : memref<1x128xi32, #tpu.memory_space<vmem>> -> memref<128xi32, #tpu.memory_space<vmem>>
        %dma_wait3A_62 = arith.constant 0 : i32
        %dma_wait3A_63 = arith.constant 0 : i32
        %dma_wait3A_64 = tpu.memref_slice %arg9[%dma_wait3A_62, %dma_wait3A_63] : memref<10240x128xf32, #tpu.memory_space<vmem_shared>> -> memref<10240x128xf32, #tpu.memory_space<vmem_shared>>
        tpu.wait_indirect_dma semaphore(%run_scoped3A : memref<!tpu.dma_semaphore, #tpu.memory_space<semaphore_mem>>) src(%arg8 : memref<128x128xf32, #tpu.memory_space<vmem>>) dst(%dma_wait3A_64 : memref<10240x128xf32, #tpu.memory_space<vmem_shared>>)
        tpu.yield
      }) : () -> ()
      %scan3A_52 = arith.constant 0 : i32
      scf.yield %scan3A_52 : i32
    }
    %scan3A_34 = arith.constant 80 : i32
    %barrier3A_35 = arith.constant 0 : index
    tpu.barrier barrier_id(%barrier3A_35)
    %mul3A_36 = arith.constant 640 : i32
    %mul3A_37 = arith.muli %arg1, %mul3A_36 : i32
    %mul3A_38 = arith.constant 640 : i32
    %mul3A_39 = arith.muli %arg1, %mul3A_38 : i32
    "tpu.region"() ({
      %run_scoped3A = tpu.sem_alloc : memref<!tpu.dma_semaphore, #tpu.memory_space<semaphore_mem>>
      %dma_start3A = arith.constant 0 : i32
      %dma_start3A_40 = tpu.memref_slice %arg5[%arg0, %mul3A_39, %dma_start3A] : memref<2x10240x128xf32, #tpu.memory_space<hbm>> -> memref<1x640x128xf32, #tpu.memory_space<hbm>>
      %dma_start3A_41 = tpu.memref_squeeze %dma_start3A_40 : memref<1x640x128xf32, #tpu.memory_space<hbm>> -> memref<640x128xf32, #tpu.memory_space<hbm>>
      %dma_start3A_42 = arith.constant 0 : i32
      %dma_start3A_43 = tpu.memref_slice %arg9[%mul3A_37, %dma_start3A_42] : memref<10240x128xf32, #tpu.memory_space<vmem_shared>> -> memref<640x128xf32, #tpu.memory_space<vmem_shared>>
      tpu.enqueue_dma source(%dma_start3A_43 : memref<640x128xf32, #tpu.memory_space<vmem_shared>>) target(%dma_start3A_41 : memref<640x128xf32, #tpu.memory_space<hbm>>) target_semaphore(%run_scoped3A : memref<!tpu.dma_semaphore, #tpu.memory_space<semaphore_mem>>)
      %dma_wait3A = arith.constant 0 : i32
      %dma_wait3A_44 = tpu.memref_slice %arg5[%arg0, %mul3A_39, %dma_wait3A] : memref<2x10240x128xf32, #tpu.memory_space<hbm>> -> memref<1x640x128xf32, #tpu.memory_space<hbm>>
      %dma_wait3A_45 = tpu.memref_squeeze %dma_wait3A_44 : memref<1x640x128xf32, #tpu.memory_space<hbm>> -> memref<640x128xf32, #tpu.memory_space<hbm>>
      %dma_wait3A_46 = arith.constant 0 : i32
      %dma_wait3A_47 = tpu.memref_slice %arg9[%mul3A_37, %dma_wait3A_46] : memref<10240x128xf32, #tpu.memory_space<vmem_shared>> -> memref<640x128xf32, #tpu.memory_space<vmem_shared>>
      tpu.wait_dma2 semaphore(%run_scoped3A : memref<!tpu.dma_semaphore, #tpu.memory_space<semaphore_mem>>) src(%dma_wait3A_47 : memref<640x128xf32, #tpu.memory_space<vmem_shared>>) dst(%dma_wait3A_45 : memref<640x128xf32, #tpu.memory_space<hbm>>)
      tpu.yield
    }) : () -> ()
    return
  }
}

#map = affine_map<(d0, d1) -> (0, 0)>
#map1 = affine_map<(d0, d1) -> (0, 0, 0)>
module attributes {stable_mosaic.version = 14 : i64} {
  func.func @_scatter_kernel(%arg0: i32, %arg1: i32, %arg2: memref<10240x128xf32, #tpu.memory_space<hbm>>, %arg3: memref<32x80x128xi32, #tpu.memory_space<hbm>>, %arg4: memref<32x80x128xi32, #tpu.memory_space<hbm>>, %arg5: memref<2x10240x128xf32, #tpu.memory_space<hbm>>, %arg6: memref<80x128xi32, #tpu.memory_space<vmem>>, %arg7: memref<80x128xi32, #tpu.memory_space<vmem>>, %arg8: memref<128x128xf32, #tpu.memory_space<vmem>>, %arg9: memref<10240x128xf32, #tpu.memory_space<vmem_shared>>, %arg10: memref<!tpu.dma_semaphore, #tpu.memory_space<semaphore_mem>>) attributes {dimension_semantics = [#tpu.dimension_semantics<core_parallel>, #tpu.dimension_semantics<subcore_parallel>], iteration_bounds = array<i64: 2, 16>, scalar_prefetch = 0 : i64, scratch_operands = 5 : i64, tpu.core_type = #tpu.core_type<sc_vector_subcore>, window_params = [{transform_indices = #map}, {transform_indices = #map1}, {transform_indices = #map1}, {transform_indices = #map1}]} {
    %mul3A = arith.constant 16 : i32
    %mul3A_0 = arith.muli %arg0, %mul3A : i32
    %add3A = arith.addi %mul3A_0, %arg1 : i32
    %broadcast_in_dim3A = arith.constant 0.000000e+00 : f32
    %broadcast_in_dim3A_1 = vector.broadcast %broadcast_in_dim3A : f32 to vector<16xf32>
    %scan3A = arith.constant 0 : i32
    %scan3A_2 = arith.constant 0 : i32
    %scan3A_3 = arith.constant 128 : i32
    %scan3A_4 = arith.addi %scan3A_2, %scan3A_3 : i32
    %scan3A_5 = arith.constant 1 : i32
    %scan3A_6 = scf.for %scan3A_40 = %scan3A_2 to %scan3A_4 step %scan3A_5 iter_args(%scan3A_41 = %scan3A) -> (i32)  : i32 {
      %swap3A = arith.index_cast %scan3A_40 : i32 to index
      %swap3A_42 = arith.constant 0 : index
      %swap3A_43 = tpu.vector_load %arg8[%swap3A, %swap3A_42] {strides = array<i32>} : memref<128x128xf32, #tpu.memory_space<vmem>>, vector<1x16xf32>,
      %swap3A_44 = vector.shape_cast %swap3A_43 : vector<1x16xf32> to vector<16xf32>
      %swap3A_45 = vector.shape_cast %broadcast_in_dim3A_1 : vector<16xf32> to vector<1x16xf32>
      tpu.vector_store %arg8[%swap3A, %swap3A_42], %swap3A_45 {strides = array<i32>} : memref<128x128xf32, #tpu.memory_space<vmem>>, vector<1x16xf32>,
      %swap3A_46 = arith.index_cast %scan3A_40 : i32 to index
      %swap3A_47 = arith.constant 16 : index
      %swap3A_48 = tpu.vector_load %arg8[%swap3A_46, %swap3A_47] {strides = array<i32>} : memref<128x128xf32, #tpu.memory_space<vmem>>, vector<1x16xf32>,
      %swap3A_49 = vector.shape_cast %swap3A_48 : vector<1x16xf32> to vector<16xf32>
      %swap3A_50 = vector.shape_cast %broadcast_in_dim3A_1 : vector<16xf32> to vector<1x16xf32>
      tpu.vector_store %arg8[%swap3A_46, %swap3A_47], %swap3A_50 {strides = array<i32>} : memref<128x128xf32, #tpu.memory_space<vmem>>, vector<1x16xf32>,
      %swap3A_51 = arith.index_cast %scan3A_40 : i32 to index
      %swap3A_52 = arith.constant 32 : index
      %swap3A_53 = tpu.vector_load %arg8[%swap3A_51, %swap3A_52] {strides = array<i32>} : memref<128x128xf32, #tpu.memory_space<vmem>>, vector<1x16xf32>,
      %swap3A_54 = vector.shape_cast %swap3A_53 : vector<1x16xf32> to vector<16xf32>
      %swap3A_55 = vector.shape_cast %broadcast_in_dim3A_1 : vector<16xf32> to vector<1x16xf32>
      tpu.vector_store %arg8[%swap3A_51, %swap3A_52], %swap3A_55 {strides = array<i32>} : memref<128x128xf32, #tpu.memory_space<vmem>>, vector<1x16xf32>,
      %swap3A_56 = arith.index_cast %scan3A_40 : i32 to index
      %swap3A_57 = arith.constant 48 : index
      %swap3A_58 = tpu.vector_load %arg8[%swap3A_56, %swap3A_57] {strides = array<i32>} : memref<128x128xf32, #tpu.memory_space<vmem>>, vector<1x16xf32>,
      %swap3A_59 = vector.shape_cast %swap3A_58 : vector<1x16xf32> to vector<16xf32>
      %swap3A_60 = vector.shape_cast %broadcast_in_dim3A_1 : vector<16xf32> to vector<1x16xf32>
      tpu.vector_store %arg8[%swap3A_56, %swap3A_57], %swap3A_60 {strides = array<i32>} : memref<128x128xf32, #tpu.memory_space<vmem>>, vector<1x16xf32>,
      %swap3A_61 = arith.index_cast %scan3A_40 : i32 to index
      %swap3A_62 = arith.constant 64 : index
      %swap3A_63 = tpu.vector_load %arg8[%swap3A_61, %swap3A_62] {strides = array<i32>} : memref<128x128xf32, #tpu.memory_space<vmem>>, vector<1x16xf32>,
      %swap3A_64 = vector.shape_cast %swap3A_63 : vector<1x16xf32> to vector<16xf32>
      %swap3A_65 = vector.shape_cast %broadcast_in_dim3A_1 : vector<16xf32> to vector<1x16xf32>
      tpu.vector_store %arg8[%swap3A_61, %swap3A_62], %swap3A_65 {strides = array<i32>} : memref<128x128xf32, #tpu.memory_space<vmem>>, vector<1x16xf32>,
      %swap3A_66 = arith.index_cast %scan3A_40 : i32 to index
      %swap3A_67 = arith.constant 80 : index
      %swap3A_68 = tpu.vector_load %arg8[%swap3A_66, %swap3A_67] {strides = array<i32>} : memref<128x128xf32, #tpu.memory_space<vmem>>, vector<1x16xf32>,
      %swap3A_69 = vector.shape_cast %swap3A_68 : vector<1x16xf32> to vector<16xf32>
      %swap3A_70 = vector.shape_cast %broadcast_in_dim3A_1 : vector<16xf32> to vector<1x16xf32>
      tpu.vector_store %arg8[%swap3A_66, %swap3A_67], %swap3A_70 {strides = array<i32>} : memref<128x128xf32, #tpu.memory_space<vmem>>, vector<1x16xf32>,
      %swap3A_71 = arith.index_cast %scan3A_40 : i32 to index
      %swap3A_72 = arith.constant 96 : index
      %swap3A_73 = tpu.vector_load %arg8[%swap3A_71, %swap3A_72] {strides = array<i32>} : memref<128x128xf32, #tpu.memory_space<vmem>>, vector<1x16xf32>,
      %swap3A_74 = vector.shape_cast %swap3A_73 : vector<1x16xf32> to vector<16xf32>
      %swap3A_75 = vector.shape_cast %broadcast_in_dim3A_1 : vector<16xf32> to vector<1x16xf32>
      tpu.vector_store %arg8[%swap3A_71, %swap3A_72], %swap3A_75 {strides = array<i32>} : memref<128x128xf32, #tpu.memory_space<vmem>>, vector<1x16xf32>,
      %swap3A_76 = arith.index_cast %scan3A_40 : i32 to index
      %swap3A_77 = arith.constant 112 : index
      %swap3A_78 = tpu.vector_load %arg8[%swap3A_76, %swap3A_77] {strides = array<i32>} : memref<128x128xf32, #tpu.memory_space<vmem>>, vector<1x16xf32>,
      %swap3A_79 = vector.shape_cast %swap3A_78 : vector<1x16xf32> to vector<16xf32>
      %swap3A_80 = vector.shape_cast %broadcast_in_dim3A_1 : vector<16xf32> to vector<1x16xf32>
      tpu.vector_store %arg8[%swap3A_76, %swap3A_77], %swap3A_80 {strides = array<i32>} : memref<128x128xf32, #tpu.memory_space<vmem>>, vector<1x16xf32>,
      %scan3A_81 = arith.constant 0 : i32
      scf.yield %scan3A_81 : i32
    }
    %scan3A_7 = arith.constant 128 : i32
    %mul3A_8 = arith.constant 640 : i32
    %mul3A_9 = arith.muli %arg1, %mul3A_8 : i32
    %add3A_10 = arith.constant 0 : i32
    %add3A_11 = arith.addi %mul3A_9, %add3A_10 : i32
    "tpu.region"() ({
      %run_scoped3A = tpu.sem_alloc : memref<!tpu.dma_semaphore, #tpu.memory_space<semaphore_mem>>
      %dma_start3A = arith.constant 0 : i32
      %dma_start3A_40 = tpu.memref_slice %arg9[%add3A_11, %dma_start3A] : memref<10240x128xf32, #tpu.memory_space<vmem_shared>> -> memref<128x128xf32, #tpu.memory_space<vmem_shared>>
      %dma_start3A_41 = arith.constant 0 : i32
      %dma_start3A_42 = tpu.memref_slice %arg9[%add3A_11, %dma_start3A_41] : memref<10240x128xf32, #tpu.memory_space<vmem_shared>> -> memref<128x128xf32, #tpu.memory_space<vmem_shared>>
      tpu.enqueue_dma source(%arg8 : memref<128x128xf32, #tpu.memory_space<vmem>>) target(%dma_start3A_42 : memref<128x128xf32, #tpu.memory_space<vmem_shared>>) target_semaphore(%run_scoped3A : memref<!tpu.dma_semaphore, #tpu.memory_space<semaphore_mem>>)
      %dma_wait3A = arith.constant 0 : i32
      %dma_wait3A_43 = tpu.memref_slice %arg9[%add3A_11, %dma_wait3A] : memref<10240x128xf32, #tpu.memory_space<vmem_shared>> -> memref<128x128xf32, #tpu.memory_space<vmem_shared>>
      %dma_wait3A_44 = arith.constant 0 : i32
      %dma_wait3A_45 = tpu.memref_slice %arg9[%add3A_11, %dma_wait3A_44] : memref<10240x128xf32, #tpu.memory_space<vmem_shared>> -> memref<128x128xf32, #tpu.memory_space<vmem_shared>>
      tpu.wait_dma2 semaphore(%run_scoped3A : memref<!tpu.dma_semaphore, #tpu.memory_space<semaphore_mem>>) src(%arg8 : memref<128x128xf32, #tpu.memory_space<vmem>>) dst(%dma_wait3A_45 : memref<128x128xf32, #tpu.memory_space<vmem_shared>>)
      tpu.yield
    }) : () -> ()
    %mul3A_12 = arith.constant 640 : i32
    %mul3A_13 = arith.muli %arg1, %mul3A_12 : i32
    %add3A_14 = arith.constant 128 : i32
    %add3A_15 = arith.addi %mul3A_13, %add3A_14 : i32
    "tpu.region"() ({
      %run_scoped3A = tpu.sem_alloc : memref<!tpu.dma_semaphore, #tpu.memory_space<semaphore_mem>>
      %dma_start3A = arith.constant 0 : i32
      %dma_start3A_40 = tpu.memref_slice %arg9[%add3A_15, %dma_start3A] : memref<10240x128xf32, #tpu.memory_space<vmem_shared>> -> memref<128x128xf32, #tpu.memory_space<vmem_shared>>
      %dma_start3A_41 = arith.constant 0 : i32
      %dma_start3A_42 = tpu.memref_slice %arg9[%add3A_15, %dma_start3A_41] : memref<10240x128xf32, #tpu.memory_space<vmem_shared>> -> memref<128x128xf32, #tpu.memory_space<vmem_shared>>
      tpu.enqueue_dma source(%arg8 : memref<128x128xf32, #tpu.memory_space<vmem>>) target(%dma_start3A_42 : memref<128x128xf32, #tpu.memory_space<vmem_shared>>) target_semaphore(%run_scoped3A : memref<!tpu.dma_semaphore, #tpu.memory_space<semaphore_mem>>)
      %dma_wait3A = arith.constant 0 : i32
      %dma_wait3A_43 = tpu.memref_slice %arg9[%add3A_15, %dma_wait3A] : memref<10240x128xf32, #tpu.memory_space<vmem_shared>> -> memref<128x128xf32, #tpu.memory_space<vmem_shared>>
      %dma_wait3A_44 = arith.constant 0 : i32
      %dma_wait3A_45 = tpu.memref_slice %arg9[%add3A_15, %dma_wait3A_44] : memref<10240x128xf32, #tpu.memory_space<vmem_shared>> -> memref<128x128xf32, #tpu.memory_space<vmem_shared>>
      tpu.wait_dma2 semaphore(%run_scoped3A : memref<!tpu.dma_semaphore, #tpu.memory_space<semaphore_mem>>) src(%arg8 : memref<128x128xf32, #tpu.memory_space<vmem>>) dst(%dma_wait3A_45 : memref<128x128xf32, #tpu.memory_space<vmem_shared>>)
      tpu.yield
    }) : () -> ()
    %mul3A_16 = arith.constant 640 : i32
    %mul3A_17 = arith.muli %arg1, %mul3A_16 : i32
    %add3A_18 = arith.constant 256 : i32
    %add3A_19 = arith.addi %mul3A_17, %add3A_18 : i32
    "tpu.region"() ({
      %run_scoped3A = tpu.sem_alloc : memref<!tpu.dma_semaphore, #tpu.memory_space<semaphore_mem>>
      %dma_start3A = arith.constant 0 : i32
      %dma_start3A_40 = tpu.memref_slice %arg9[%add3A_19, %dma_start3A] : memref<10240x128xf32, #tpu.memory_space<vmem_shared>> -> memref<128x128xf32, #tpu.memory_space<vmem_shared>>
      %dma_start3A_41 = arith.constant 0 : i32
      %dma_start3A_42 = tpu.memref_slice %arg9[%add3A_19, %dma_start3A_41] : memref<10240x128xf32, #tpu.memory_space<vmem_shared>> -> memref<128x128xf32, #tpu.memory_space<vmem_shared>>
      tpu.enqueue_dma source(%arg8 : memref<128x128xf32, #tpu.memory_space<vmem>>) target(%dma_start3A_42 : memref<128x128xf32, #tpu.memory_space<vmem_shared>>) target_semaphore(%run_scoped3A : memref<!tpu.dma_semaphore, #tpu.memory_space<semaphore_mem>>)
      %dma_wait3A = arith.constant 0 : i32
      %dma_wait3A_43 = tpu.memref_slice %arg9[%add3A_19, %dma_wait3A] : memref<10240x128xf32, #tpu.memory_space<vmem_shared>> -> memref<128x128xf32, #tpu.memory_space<vmem_shared>>
      %dma_wait3A_44 = arith.constant 0 : i32
      %dma_wait3A_45 = tpu.memref_slice %arg9[%add3A_19, %dma_wait3A_44] : memref<10240x128xf32, #tpu.memory_space<vmem_shared>> -> memref<128x128xf32, #tpu.memory_space<vmem_shared>>
      tpu.wait_dma2 semaphore(%run_scoped3A : memref<!tpu.dma_semaphore, #tpu.memory_space<semaphore_mem>>) src(%arg8 : memref<128x128xf32, #tpu.memory_space<vmem>>) dst(%dma_wait3A_45 : memref<128x128xf32, #tpu.memory_space<vmem_shared>>)
      tpu.yield
    }) : () -> ()
    %mul3A_20 = arith.constant 640 : i32
    %mul3A_21 = arith.muli %arg1, %mul3A_20 : i32
    %add3A_22 = arith.constant 384 : i32
    %add3A_23 = arith.addi %mul3A_21, %add3A_22 : i32
    "tpu.region"() ({
      %run_scoped3A = tpu.sem_alloc : memref<!tpu.dma_semaphore, #tpu.memory_space<semaphore_mem>>
      %dma_start3A = arith.constant 0 : i32
      %dma_start3A_40 = tpu.memref_slice %arg9[%add3A_23, %dma_start3A] : memref<10240x128xf32, #tpu.memory_space<vmem_shared>> -> memref<128x128xf32, #tpu.memory_space<vmem_shared>>
      %dma_start3A_41 = arith.constant 0 : i32
      %dma_start3A_42 = tpu.memref_slice %arg9[%add3A_23, %dma_start3A_41] : memref<10240x128xf32, #tpu.memory_space<vmem_shared>> -> memref<128x128xf32, #tpu.memory_space<vmem_shared>>
      tpu.enqueue_dma source(%arg8 : memref<128x128xf32, #tpu.memory_space<vmem>>) target(%dma_start3A_42 : memref<128x128xf32, #tpu.memory_space<vmem_shared>>) target_semaphore(%run_scoped3A : memref<!tpu.dma_semaphore, #tpu.memory_space<semaphore_mem>>)
      %dma_wait3A = arith.constant 0 : i32
      %dma_wait3A_43 = tpu.memref_slice %arg9[%add3A_23, %dma_wait3A] : memref<10240x128xf32, #tpu.memory_space<vmem_shared>> -> memref<128x128xf32, #tpu.memory_space<vmem_shared>>
      %dma_wait3A_44 = arith.constant 0 : i32
      %dma_wait3A_45 = tpu.memref_slice %arg9[%add3A_23, %dma_wait3A_44] : memref<10240x128xf32, #tpu.memory_space<vmem_shared>> -> memref<128x128xf32, #tpu.memory_space<vmem_shared>>
      tpu.wait_dma2 semaphore(%run_scoped3A : memref<!tpu.dma_semaphore, #tpu.memory_space<semaphore_mem>>) src(%arg8 : memref<128x128xf32, #tpu.memory_space<vmem>>) dst(%dma_wait3A_45 : memref<128x128xf32, #tpu.memory_space<vmem_shared>>)
      tpu.yield
    }) : () -> ()
    %mul3A_24 = arith.constant 640 : i32
    %mul3A_25 = arith.muli %arg1, %mul3A_24 : i32
    %add3A_26 = arith.constant 512 : i32
    %add3A_27 = arith.addi %mul3A_25, %add3A_26 : i32
    "tpu.region"() ({
      %run_scoped3A = tpu.sem_alloc : memref<!tpu.dma_semaphore, #tpu.memory_space<semaphore_mem>>
      %dma_start3A = arith.constant 0 : i32
      %dma_start3A_40 = tpu.memref_slice %arg9[%add3A_27, %dma_start3A] : memref<10240x128xf32, #tpu.memory_space<vmem_shared>> -> memref<128x128xf32, #tpu.memory_space<vmem_shared>>
      %dma_start3A_41 = arith.constant 0 : i32
      %dma_start3A_42 = tpu.memref_slice %arg9[%add3A_27, %dma_start3A_41] : memref<10240x128xf32, #tpu.memory_space<vmem_shared>> -> memref<128x128xf32, #tpu.memory_space<vmem_shared>>
      tpu.enqueue_dma source(%arg8 : memref<128x128xf32, #tpu.memory_space<vmem>>) target(%dma_start3A_42 : memref<128x128xf32, #tpu.memory_space<vmem_shared>>) target_semaphore(%run_scoped3A : memref<!tpu.dma_semaphore, #tpu.memory_space<semaphore_mem>>)
      %dma_wait3A = arith.constant 0 : i32
      %dma_wait3A_43 = tpu.memref_slice %arg9[%add3A_27, %dma_wait3A] : memref<10240x128xf32, #tpu.memory_space<vmem_shared>> -> memref<128x128xf32, #tpu.memory_space<vmem_shared>>
      %dma_wait3A_44 = arith.constant 0 : i32
      %dma_wait3A_45 = tpu.memref_slice %arg9[%add3A_27, %dma_wait3A_44] : memref<10240x128xf32, #tpu.memory_space<vmem_shared>> -> memref<128x128xf32, #tpu.memory_space<vmem_shared>>
      tpu.wait_dma2 semaphore(%run_scoped3A : memref<!tpu.dma_semaphore, #tpu.memory_space<semaphore_mem>>) src(%arg8 : memref<128x128xf32, #tpu.memory_space<vmem>>) dst(%dma_wait3A_45 : memref<128x128xf32, #tpu.memory_space<vmem_shared>>)
      tpu.yield
    }) : () -> ()
    %barrier3A = arith.constant 0 : index
    tpu.barrier barrier_id(%barrier3A)
    "tpu.region"() ({
      %run_scoped3A = tpu.sem_alloc : memref<!tpu.dma_semaphore, #tpu.memory_space<semaphore_mem>>
      %dma_start3A = arith.constant 0 : i32
      %dma_start3A_40 = arith.constant 0 : i32
      %dma_start3A_41 = tpu.memref_slice %arg3[%add3A, %dma_start3A, %dma_start3A_40] : memref<32x80x128xi32, #tpu.memory_space<hbm>> -> memref<1x80x128xi32, #tpu.memory_space<hbm>>
      %dma_start3A_42 = tpu.memref_squeeze %dma_start3A_41 : memref<1x80x128xi32, #tpu.memory_space<hbm>> -> memref<80x128xi32, #tpu.memory_space<hbm>>
      %dma_start3A_43 = arith.constant 0 : i32
      %dma_start3A_44 = arith.constant 0 : i32
      %dma_start3A_45 = tpu.memref_slice %arg3[%add3A, %dma_start3A_43, %dma_start3A_44] : memref<32x80x128xi32, #tpu.memory_space<hbm>> -> memref<1x80x128xi32, #tpu.memory_space<hbm>>
      %dma_start3A_46 = tpu.memref_squeeze %dma_start3A_45 : memref<1x80x128xi32, #tpu.memory_space<hbm>> -> memref<80x128xi32, #tpu.memory_space<hbm>>
      tpu.enqueue_dma source(%dma_start3A_46 : memref<80x128xi32, #tpu.memory_space<hbm>>) target(%arg6 : memref<80x128xi32, #tpu.memory_space<vmem>>) target_semaphore(%run_scoped3A : memref<!tpu.dma_semaphore, #tpu.memory_space<semaphore_mem>>)
      %dma_wait3A = arith.constant 0 : i32
      %dma_wait3A_47 = arith.constant 0 : i32
      %dma_wait3A_48 = tpu.memref_slice %arg3[%add3A, %dma_wait3A, %dma_wait3A_47] : memref<32x80x128xi32, #tpu.memory_space<hbm>> -> memref<1x80x128xi32, #tpu.memory_space<hbm>>
      %dma_wait3A_49 = tpu.memref_squeeze %dma_wait3A_48 : memref<1x80x128xi32, #tpu.memory_space<hbm>> -> memref<80x128xi32, #tpu.memory_space<hbm>>
      %dma_wait3A_50 = arith.constant 0 : i32
      %dma_wait3A_51 = arith.constant 0 : i32
      %dma_wait3A_52 = tpu.memref_slice %arg3[%add3A, %dma_wait3A_50, %dma_wait3A_51] : memref<32x80x128xi32, #tpu.memory_space<hbm>> -> memref<1x80x128xi32, #tpu.memory_space<hbm>>
      %dma_wait3A_53 = tpu.memref_squeeze %dma_wait3A_52 : memref<1x80x128xi32, #tpu.memory_space<hbm>> -> memref<80x128xi32, #tpu.memory_space<hbm>>
      tpu.wait_dma2 semaphore(%run_scoped3A : memref<!tpu.dma_semaphore, #tpu.memory_space<semaphore_mem>>) src(%dma_wait3A_53 : memref<80x128xi32, #tpu.memory_space<hbm>>) dst(%arg6 : memref<80x128xi32, #tpu.memory_space<vmem>>)
      tpu.yield
    }) : () -> ()
    "tpu.region"() ({
      %run_scoped3A = tpu.sem_alloc : memref<!tpu.dma_semaphore, #tpu.memory_space<semaphore_mem>>
      %dma_start3A = arith.constant 0 : i32
      %dma_start3A_40 = arith.constant 0 : i32
      %dma_start3A_41 = tpu.memref_slice %arg4[%add3A, %dma_start3A, %dma_start3A_40] : memref<32x80x128xi32, #tpu.memory_space<hbm>> -> memref<1x80x128xi32, #tpu.memory_space<hbm>>
      %dma_start3A_42 = tpu.memref_squeeze %dma_start3A_41 : memref<1x80x128xi32, #tpu.memory_space<hbm>> -> memref<80x128xi32, #tpu.memory_space<hbm>>
      %dma_start3A_43 = arith.constant 0 : i32
      %dma_start3A_44 = arith.constant 0 : i32
      %dma_start3A_45 = tpu.memref_slice %arg4[%add3A, %dma_start3A_43, %dma_start3A_44] : memref<32x80x128xi32, #tpu.memory_space<hbm>> -> memref<1x80x128xi32, #tpu.memory_space<hbm>>
      %dma_start3A_46 = tpu.memref_squeeze %dma_start3A_45 : memref<1x80x128xi32, #tpu.memory_space<hbm>> -> memref<80x128xi32, #tpu.memory_space<hbm>>
      tpu.enqueue_dma source(%dma_start3A_46 : memref<80x128xi32, #tpu.memory_space<hbm>>) target(%arg7 : memref<80x128xi32, #tpu.memory_space<vmem>>) target_semaphore(%run_scoped3A : memref<!tpu.dma_semaphore, #tpu.memory_space<semaphore_mem>>)
      %dma_wait3A = arith.constant 0 : i32
      %dma_wait3A_47 = arith.constant 0 : i32
      %dma_wait3A_48 = tpu.memref_slice %arg4[%add3A, %dma_wait3A, %dma_wait3A_47] : memref<32x80x128xi32, #tpu.memory_space<hbm>> -> memref<1x80x128xi32, #tpu.memory_space<hbm>>
      %dma_wait3A_49 = tpu.memref_squeeze %dma_wait3A_48 : memref<1x80x128xi32, #tpu.memory_space<hbm>> -> memref<80x128xi32, #tpu.memory_space<hbm>>
      %dma_wait3A_50 = arith.constant 0 : i32
      %dma_wait3A_51 = arith.constant 0 : i32
      %dma_wait3A_52 = tpu.memref_slice %arg4[%add3A, %dma_wait3A_50, %dma_wait3A_51] : memref<32x80x128xi32, #tpu.memory_space<hbm>> -> memref<1x80x128xi32, #tpu.memory_space<hbm>>
      %dma_wait3A_53 = tpu.memref_squeeze %dma_wait3A_52 : memref<1x80x128xi32, #tpu.memory_space<hbm>> -> memref<80x128xi32, #tpu.memory_space<hbm>>
      tpu.wait_dma2 semaphore(%run_scoped3A : memref<!tpu.dma_semaphore, #tpu.memory_space<semaphore_mem>>) src(%dma_wait3A_53 : memref<80x128xi32, #tpu.memory_space<hbm>>) dst(%arg7 : memref<80x128xi32, #tpu.memory_space<vmem>>)
      tpu.yield
    }) : () -> ()
    %scan3A_28 = arith.constant 0 : i32
    %scan3A_29 = arith.constant 0 : i32
    %scan3A_30 = arith.constant 80 : i32
    %scan3A_31 = arith.addi %scan3A_29, %scan3A_30 : i32
    %scan3A_32 = arith.constant 1 : i32
    %scan3A_33 = scf.for %scan3A_40 = %scan3A_29 to %scan3A_31 step %scan3A_32 iter_args(%scan3A_41 = %scan3A_28) -> (i32)  : i32 {
      %dma_start3A = arith.constant 0 : i32
      %dma_start3A_42 = tpu.memref_slice %arg6[%scan3A_40, %dma_start3A] : memref<80x128xi32, #tpu.memory_space<vmem>> -> memref<1x128xi32, #tpu.memory_space<vmem>>
      %dma_start3A_43 = tpu.memref_squeeze %dma_start3A_42 : memref<1x128xi32, #tpu.memory_space<vmem>> -> memref<128xi32, #tpu.memory_space<vmem>>
      %dma_start3A_44 = arith.constant 0 : i32
      %dma_start3A_45 = arith.constant 0 : i32
      %dma_start3A_46 = tpu.memref_slice %arg2[%dma_start3A_44, %dma_start3A_45] : memref<10240x128xf32, #tpu.memory_space<hbm>> -> memref<10240x128xf32, #tpu.memory_space<hbm>>
      tpu.enqueue_indirect_dma source(%dma_start3A_46 : memref<10240x128xf32, #tpu.memory_space<hbm>>) target(%arg8 : memref<128x128xf32, #tpu.memory_space<vmem>>) offsets(%dma_start3A_43 : memref<128xi32, #tpu.memory_space<vmem>>) semaphore(%arg10 : memref<!tpu.dma_semaphore, #tpu.memory_space<semaphore_mem>>)
      %dma_wait3A = arith.constant 0 : i32
      %dma_wait3A_47 = tpu.memref_slice %arg6[%scan3A_40, %dma_wait3A] : memref<80x128xi32, #tpu.memory_space<vmem>> -> memref<1x128xi32, #tpu.memory_space<vmem>>
      %dma_wait3A_48 = tpu.memref_squeeze %dma_wait3A_47 : memref<1x128xi32, #tpu.memory_space<vmem>> -> memref<128xi32, #tpu.memory_space<vmem>>
      %dma_wait3A_49 = arith.constant 0 : i32
      %dma_wait3A_50 = arith.constant 0 : i32
      %dma_wait3A_51 = tpu.memref_slice %arg2[%dma_wait3A_49, %dma_wait3A_50] : memref<10240x128xf32, #tpu.memory_space<hbm>> -> memref<10240x128xf32, #tpu.memory_space<hbm>>
      tpu.wait_indirect_dma semaphore(%arg10 : memref<!tpu.dma_semaphore, #tpu.memory_space<semaphore_mem>>) src(%dma_wait3A_51 : memref<10240x128xf32, #tpu.memory_space<hbm>>) dst(%arg8 : memref<128x128xf32, #tpu.memory_space<vmem>>)
      "tpu.region"() ({
        %run_scoped3A = tpu.sem_alloc : memref<!tpu.dma_semaphore, #tpu.memory_space<semaphore_mem>>
        %dma_start3A_53 = arith.constant 0 : i32
        %dma_start3A_54 = tpu.memref_slice %arg7[%scan3A_40, %dma_start3A_53] : memref<80x128xi32, #tpu.memory_space<vmem>> -> memref<1x128xi32, #tpu.memory_space<vmem>>
        %dma_start3A_55 = tpu.memref_squeeze %dma_start3A_54 : memref<1x128xi32, #tpu.memory_space<vmem>> -> memref<128xi32, #tpu.memory_space<vmem>>
        %dma_start3A_56 = arith.constant 0 : i32
        %dma_start3A_57 = arith.constant 0 : i32
        %dma_start3A_58 = tpu.memref_slice %arg9[%dma_start3A_56, %dma_start3A_57] : memref<10240x128xf32, #tpu.memory_space<vmem_shared>> -> memref<10240x128xf32, #tpu.memory_space<vmem_shared>>
        tpu.enqueue_indirect_dma source(%arg8 : memref<128x128xf32, #tpu.memory_space<vmem>>) target(%dma_start3A_58 : memref<10240x128xf32, #tpu.memory_space<vmem_shared>>) offsets(%dma_start3A_55 : memref<128xi32, #tpu.memory_space<vmem>>) semaphore(%run_scoped3A : memref<!tpu.dma_semaphore, #tpu.memory_space<semaphore_mem>>) {add = true}
        %dma_wait3A_59 = arith.constant 0 : i32
        %dma_wait3A_60 = tpu.memref_slice %arg7[%scan3A_40, %dma_wait3A_59] : memref<80x128xi32, #tpu.memory_space<vmem>> -> memref<1x128xi32, #tpu.memory_space<vmem>>
        %dma_wait3A_61 = tpu.memref_squeeze %dma_wait3A_60 : memref<1x128xi32, #tpu.memory_space<vmem>> -> memref<128xi32, #tpu.memory_space<vmem>>
        %dma_wait3A_62 = arith.constant 0 : i32
        %dma_wait3A_63 = arith.constant 0 : i32
        %dma_wait3A_64 = tpu.memref_slice %arg9[%dma_wait3A_62, %dma_wait3A_63] : memref<10240x128xf32, #tpu.memory_space<vmem_shared>> -> memref<10240x128xf32, #tpu.memory_space<vmem_shared>>
        tpu.wait_indirect_dma semaphore(%run_scoped3A : memref<!tpu.dma_semaphore, #tpu.memory_space<semaphore_mem>>) src(%arg8 : memref<128x128xf32, #tpu.memory_space<vmem>>) dst(%dma_wait3A_64 : memref<10240x128xf32, #tpu.memory_space<vmem_shared>>)
        tpu.yield
      }) : () -> ()
      %scan3A_52 = arith.constant 0 : i32
      scf.yield %scan3A_52 : i32
    }
    %scan3A_34 = arith.constant 80 : i32
    %barrier3A_35 = arith.constant 0 : index
    tpu.barrier barrier_id(%barrier3A_35)
    %mul3A_36 = arith.constant 640 : i32
    %mul3A_37 = arith.muli %arg1, %mul3A_36 : i32
    %mul3A_38 = arith.constant 640 : i32
    %mul3A_39 = arith.muli %arg1, %mul3A_38 : i32
    "tpu.region"() ({
      %run_scoped3A = tpu.sem_alloc : memref<!tpu.dma_semaphore, #tpu.memory_space<semaphore_mem>>
      %dma_start3A = arith.constant 0 : i32
      %dma_start3A_40 = tpu.memref_slice %arg5[%arg0, %mul3A_39, %dma_start3A] : memref<2x10240x128xf32, #tpu.memory_space<hbm>> -> memref<1x640x128xf32, #tpu.memory_space<hbm>>
      %dma_start3A_41 = tpu.memref_squeeze %dma_start3A_40 : memref<1x640x128xf32, #tpu.memory_space<hbm>> -> memref<640x128xf32, #tpu.memory_space<hbm>>
      %dma_start3A_42 = arith.constant 0 : i32
      %dma_start3A_43 = tpu.memref_slice %arg9[%mul3A_37, %dma_start3A_42] : memref<10240x128xf32, #tpu.memory_space<vmem_shared>> -> memref<640x128xf32, #tpu.memory_space<vmem_shared>>
      tpu.enqueue_dma source(%dma_start3A_43 : memref<640x128xf32, #tpu.memory_space<vmem_shared>>) target(%dma_start3A_41 : memref<640x128xf32, #tpu.memory_space<hbm>>) target_semaphore(%run_scoped3A : memref<!tpu.dma_semaphore, #tpu.memory_space<semaphore_mem>>)
      %dma_wait3A = arith.constant 0 : i32
      %dma_wait3A_44 = tpu.memref_slice %arg5[%arg0, %mul3A_39, %dma_wait3A] : memref<2x10240x128xf32, #tpu.memory_space<hbm>> -> memref<1x640x128xf32, #tpu.memory_space<hbm>>
      %dma_wait3A_45 = tpu.memref_squeeze %dma_wait3A_44 : memref<1x640x128xf32, #tpu.memory_space<hbm>> -> memref<640x128xf32, #tpu.memory_space<hbm>>
      %dma_wait3A_46 = arith.constant 0 : i32
      %dma_wait3A_47 = tpu.memref_slice %arg9[%mul3A_37, %dma_wait3A_46] : memref<10240x128xf32, #tpu.memory_space<vmem_shared>> -> memref<640x128xf32, #tpu.memory_space<vmem_shared>>
      tpu.wait_dma2 semaphore(%run_scoped3A : memref<!tpu.dma_semaphore, #tpu.memory_space<semaphore_mem>>) src(%dma_wait3A_47 : memref<640x128xf32, #tpu.memory_space<vmem_shared>>) dst(%dma_wait3A_45 : memref<640x128xf32, #tpu.memory_space<hbm>>)
      tpu.yield
    }) : () -> ()
    return
  }
}

module attributes {stable_mosaic.version = 14 : i64} {
  func.func @_prep_body(%arg0: i32, %arg1: memref<2x1280x16xf32, #tpu.memory_space<vmem>>, %arg2: memref<1280x128xf32, #tpu.memory_space<vmem>>, %arg3: memref<128x128xf32, #tpu.memory_space<vmem>>, %arg4: memref<1280x1xf32, #tpu.memory_space<vmem>>, %arg5: memref<1280x128xf32, #tpu.memory_space<vmem>>) attributes {dimension_semantics = [#tpu.dimension_semantics<arbitrary>], iteration_bounds = array<i64: 8>, scalar_prefetch = 0 : i64, scratch_operands = 0 : i64, tpu.core_type = #tpu.core_type<tc>, window_params = [{transform_indices = @transform_0, window_bounds = array<i64: 2, 1280, 16>}, {transform_indices = @transform_1, window_bounds = array<i64: 1280, 128>}, {pipeline_mode = #tpu.pipeline_mode<synchronous>, transform_indices = @transform_2, window_bounds = array<i64: 128, 128>}, {transform_indices = @transform_3, window_bounds = array<i64: 1280, 1>}, {transform_indices = @transform_4, window_bounds = array<i64: 1280, 128>}]} {
    %get3A = arith.constant 0 : index
    %get3A_0 = arith.constant 0 : index
    %get3A_1 = arith.constant 0 : index
    %get3A_2 = vector.load %arg1[%get3A, %get3A_0, %get3A_1] : memref<2x1280x16xf32, #tpu.memory_space<vmem>>, vector<1x1280x1xf32>
    %get3A_3 = vector.shape_cast %get3A_2 : vector<1x1280x1xf32> to vector<1280x1xf32>
    %get3A_4 = arith.constant 1 : index
    %get3A_5 = arith.constant 0 : index
    %get3A_6 = arith.constant 0 : index
    %get3A_7 = vector.load %arg1[%get3A_4, %get3A_5, %get3A_6] : memref<2x1280x16xf32, #tpu.memory_space<vmem>>, vector<1x1280x1xf32>
    %get3A_8 = vector.shape_cast %get3A_7 : vector<1x1280x1xf32> to vector<1280x1xf32>
    %add3A = arith.addf %get3A_3, %get3A_8 : vector<1280x1xf32>
    %add3A_9 = arith.constant 1.000000e+00 : f32
    %add3A_10 = vector.broadcast %add3A_9 : f32 to vector<1280x1xf32>
    %add3A_11 = arith.addf %add3A, %add3A_10 : vector<1280x1xf32>
    %sqrt3A = math.sqrt %add3A_11 : vector<1280x1xf32>
    %div3A = arith.constant 1.000000e+00 : f32
    %div3A_12 = vector.broadcast %div3A : f32 to vector<1280x1xf32>
    %div3A_13 = arith.divf %div3A_12, %sqrt3A : vector<1280x1xf32>
    %swap3A = arith.constant 0 : index
    %swap3A_14 = arith.constant 0 : index
    %swap3A_15 = vector.load %arg4[%swap3A, %swap3A_14] : memref<1280x1xf32, #tpu.memory_space<vmem>>, vector<1280x1xf32>
    tpu.vector_store %arg4[%swap3A, %swap3A_14], %div3A_13 {strides = array<i32>} : memref<1280x1xf32, #tpu.memory_space<vmem>>, vector<1280x1xf32>,
    %get3A_16 = arith.constant 0 : index
    %get3A_17 = arith.constant 0 : index
    %get3A_18 = vector.load %arg2[%get3A_16, %get3A_17] : memref<1280x128xf32, #tpu.memory_space<vmem>>, vector<1280x128xf32>
    %get3A_19 = arith.constant 0 : index
    %get3A_20 = arith.constant 0 : index
    %get3A_21 = vector.load %arg3[%get3A_19, %get3A_20] : memref<128x128xf32, #tpu.memory_space<vmem>>, vector<128x128xf32>
    %dot_general3A = arith.constant dense<0.000000e+00> : vector<1280x128xf32>
    %dot_general3A_22 = tpu.matmul %get3A_18, %get3A_21, %dot_general3A {dimension_numbers = #tpu.dot_dimension_numbers<[1], [0], [0], [1], [0, 0, 1, 1], [], []>, transpose_lhs_hint = false} : vector<1280x128xf32>, vector<128x128xf32>, vector<1280x128xf32> -> vector<1280x128xf32>
    %mul3A = vector.broadcast %div3A_13 : vector<1280x1xf32> to vector<1280x128xf32>
    %mul3A_23 = arith.mulf %mul3A, %dot_general3A_22 : vector<1280x128xf32>
    %swap3A_24 = arith.constant 0 : index
    %swap3A_25 = arith.constant 0 : index
    %swap3A_26 = vector.load %arg5[%swap3A_24, %swap3A_25] : memref<1280x128xf32, #tpu.memory_space<vmem>>, vector<1280x128xf32>
    tpu.vector_store %arg5[%swap3A_24, %swap3A_25], %mul3A_23 {strides = array<i32>} : memref<1280x128xf32, #tpu.memory_space<vmem>>, vector<1280x128xf32>,
    return
  }
  func.func @transform_0(%arg0: i32) -> (i32, i32, i32) {
    %c0_i32 = arith.constant 0 : i32
    %c0_i32_0 = arith.constant 0 : i32
    %c0_i32_1 = arith.constant 0 : i32
    return %c0_i32, %arg0, %c0_i32_0 : i32, i32, i32
  }
  func.func @transform_1(%arg0: i32) -> (i32, i32) {
    %c0_i32 = arith.constant 0 : i32
    %c0_i32_0 = arith.constant 0 : i32
    return %arg0, %c0_i32 : i32, i32
  }
  func.func @transform_2(%arg0: i32) -> (i32, i32) {
    %c0_i32 = arith.constant 0 : i32
    %c0_i32_0 = arith.constant 0 : i32
    %c0_i32_1 = arith.constant 0 : i32
    return %c0_i32, %c0_i32_0 : i32, i32
  }
  func.func @transform_3(%arg0: i32) -> (i32, i32) {
    %c0_i32 = arith.constant 0 : i32
    %c0_i32_0 = arith.constant 0 : i32
    return %arg0, %c0_i32 : i32, i32
  }
  func.func @transform_4(%arg0: i32) -> (i32, i32) {
    %c0_i32 = arith.constant 0 : i32
    %c0_i32_0 = arith.constant 0 : i32
    return %arg0, %c0_i32 : i32, i32
  }
}

module attributes {stable_mosaic.version = 14 : i64} {
  func.func @_mid_body(%arg0: i32, %arg1: memref<2x1280x128xf32, #tpu.memory_space<vmem>>, %arg2: memref<1280x128xf32, #tpu.memory_space<vmem>>, %arg3: memref<1280x1xf32, #tpu.memory_space<vmem>>, %arg4: memref<8x128xf32, #tpu.memory_space<vmem>>, %arg5: memref<128x128xf32, #tpu.memory_space<vmem>>, %arg6: memref<1280x128xf32, #tpu.memory_space<vmem>>) attributes {dimension_semantics = [#tpu.dimension_semantics<arbitrary>], iteration_bounds = array<i64: 8>, scalar_prefetch = 0 : i64, scratch_operands = 0 : i64, tpu.core_type = #tpu.core_type<tc>, window_params = [{transform_indices = @transform_0, window_bounds = array<i64: 2, 1280, 128>}, {transform_indices = @transform_1, window_bounds = array<i64: 1280, 128>}, {transform_indices = @transform_2, window_bounds = array<i64: 1280, 1>}, {pipeline_mode = #tpu.pipeline_mode<synchronous>, transform_indices = @transform_3, window_bounds = array<i64: 8, 128>}, {pipeline_mode = #tpu.pipeline_mode<synchronous>, transform_indices = @transform_4, window_bounds = array<i64: 128, 128>}, {transform_indices = @transform_5, window_bounds = array<i64: 1280, 128>}]} {
    %get3A = arith.constant 0 : index
    %get3A_0 = arith.constant 0 : index
    %get3A_1 = vector.load %arg3[%get3A, %get3A_0] : memref<1280x1xf32, #tpu.memory_space<vmem>>, vector<1280x1xf32>
    %get3A_2 = arith.constant 0 : index
    %get3A_3 = arith.constant 0 : index
    %get3A_4 = arith.constant 0 : index
    %get3A_5 = vector.load %arg1[%get3A_2, %get3A_3, %get3A_4] : memref<2x1280x128xf32, #tpu.memory_space<vmem>>, vector<1x1280x128xf32>
    %get3A_6 = vector.shape_cast %get3A_5 : vector<1x1280x128xf32> to vector<1280x128xf32>
    %get3A_7 = arith.constant 1 : index
    %get3A_8 = arith.constant 0 : index
    %get3A_9 = arith.constant 0 : index
    %get3A_10 = vector.load %arg1[%get3A_7, %get3A_8, %get3A_9] : memref<2x1280x128xf32, #tpu.memory_space<vmem>>, vector<1x1280x128xf32>
    %get3A_11 = vector.shape_cast %get3A_10 : vector<1x1280x128xf32> to vector<1280x128xf32>
    %add3A = arith.addf %get3A_6, %get3A_11 : vector<1280x128xf32>
    %get3A_12 = arith.constant 0 : index
    %get3A_13 = arith.constant 0 : index
    %get3A_14 = vector.load %arg2[%get3A_12, %get3A_13] : memref<1280x128xf32, #tpu.memory_space<vmem>>, vector<1280x128xf32>
    %add3A_15 = arith.addf %add3A, %get3A_14 : vector<1280x128xf32>
    %mul3A = vector.broadcast %get3A_1 : vector<1280x1xf32> to vector<1280x128xf32>
    %mul3A_16 = arith.mulf %mul3A, %add3A_15 : vector<1280x128xf32>
    %get3A_17 = arith.constant 0 : index
    %get3A_18 = arith.constant 0 : index
    %get3A_19 = vector.load %arg4[%get3A_17, %get3A_18] : memref<8x128xf32, #tpu.memory_space<vmem>>, vector<1x128xf32>
    %add3A_20 = vector.broadcast %get3A_19 : vector<1x128xf32> to vector<1280x128xf32>
    %add3A_21 = arith.addf %mul3A_16, %add3A_20 : vector<1280x128xf32>
    %ge3A = arith.constant 0.000000e+00 : f32
    %ge3A_22 = vector.broadcast %ge3A : f32 to vector<1280x128xf32>
    %ge3A_23 = arith.cmpf oge, %add3A_21, %ge3A_22 : vector<1280x128xf32>
    %mul3A_24 = arith.constant 5.000000e-02 : f32
    %mul3A_25 = vector.broadcast %mul3A_24 : f32 to vector<1280x128xf32>
    %mul3A_26 = arith.mulf %mul3A_25, %add3A_21 : vector<1280x128xf32>
    %select_n3A = arith.select %ge3A_23, %add3A_21, %mul3A_26 : vector<1280x128xi1>, vector<1280x128xf32>
    %get3A_27 = arith.constant 1 : index
    %get3A_28 = arith.constant 0 : index
    %get3A_29 = vector.load %arg4[%get3A_27, %get3A_28] : memref<8x128xf32, #tpu.memory_space<vmem>>, vector<1x128xf32>
    %get3A_30 = arith.constant 4 : index
    %get3A_31 = arith.constant 0 : index
    %get3A_32 = vector.load %arg4[%get3A_30, %get3A_31] : memref<8x128xf32, #tpu.memory_space<vmem>>, vector<1x128xf32>
    %add3A_33 = arith.constant 9.99999974E-6 : f32
    %add3A_34 = vector.broadcast %add3A_33 : f32 to vector<1x128xf32>
    %add3A_35 = arith.addf %get3A_32, %add3A_34 : vector<1x128xf32>
    %sqrt3A = math.sqrt %add3A_35 : vector<1x128xf32>
    %div3A = arith.divf %get3A_29, %sqrt3A : vector<1x128xf32>
    %get3A_36 = arith.constant 3 : index
    %get3A_37 = arith.constant 0 : index
    %get3A_38 = vector.load %arg4[%get3A_36, %get3A_37] : memref<8x128xf32, #tpu.memory_space<vmem>>, vector<1x128xf32>
    %sub3A = vector.broadcast %get3A_38 : vector<1x128xf32> to vector<1280x128xf32>
    %sub3A_39 = arith.subf %select_n3A, %sub3A : vector<1280x128xf32>
    %mul3A_40 = vector.broadcast %div3A : vector<1x128xf32> to vector<1280x128xf32>
    %mul3A_41 = arith.mulf %sub3A_39, %mul3A_40 : vector<1280x128xf32>
    %get3A_42 = arith.constant 2 : index
    %get3A_43 = arith.constant 0 : index
    %get3A_44 = vector.load %arg4[%get3A_42, %get3A_43] : memref<8x128xf32, #tpu.memory_space<vmem>>, vector<1x128xf32>
    %add3A_45 = vector.broadcast %get3A_44 : vector<1x128xf32> to vector<1280x128xf32>
    %add3A_46 = arith.addf %mul3A_41, %add3A_45 : vector<1280x128xf32>
    %get3A_47 = arith.constant 0 : index
    %get3A_48 = arith.constant 0 : index
    %get3A_49 = vector.load %arg5[%get3A_47, %get3A_48] : memref<128x128xf32, #tpu.memory_space<vmem>>, vector<128x128xf32>
    %dot_general3A = arith.constant dense<0.000000e+00> : vector<1280x128xf32>
    %dot_general3A_50 = tpu.matmul %add3A_46, %get3A_49, %dot_general3A {dimension_numbers = #tpu.dot_dimension_numbers<[1], [0], [0], [1], [0, 0, 1, 1], [], []>, transpose_lhs_hint = false} : vector<1280x128xf32>, vector<128x128xf32>, vector<1280x128xf32> -> vector<1280x128xf32>
    %mul3A_51 = vector.broadcast %get3A_1 : vector<1280x1xf32> to vector<1280x128xf32>
    %mul3A_52 = arith.mulf %mul3A_51, %dot_general3A_50 : vector<1280x128xf32>
    %swap3A = arith.constant 0 : index
    %swap3A_53 = arith.constant 0 : index
    %swap3A_54 = vector.load %arg6[%swap3A, %swap3A_53] : memref<1280x128xf32, #tpu.memory_space<vmem>>, vector<1280x128xf32>
    tpu.vector_store %arg6[%swap3A, %swap3A_53], %mul3A_52 {strides = array<i32>} : memref<1280x128xf32, #tpu.memory_space<vmem>>, vector<1280x128xf32>,
    return
  }
  func.func @transform_0(%arg0: i32) -> (i32, i32, i32) {
    %c0_i32 = arith.constant 0 : i32
    %c0_i32_0 = arith.constant 0 : i32
    %c0_i32_1 = arith.constant 0 : i32
    return %c0_i32, %arg0, %c0_i32_0 : i32, i32, i32
  }
  func.func @transform_1(%arg0: i32) -> (i32, i32) {
    %c0_i32 = arith.constant 0 : i32
    %c0_i32_0 = arith.constant 0 : i32
    return %arg0, %c0_i32 : i32, i32
  }
  func.func @transform_2(%arg0: i32) -> (i32, i32) {
    %c0_i32 = arith.constant 0 : i32
    %c0_i32_0 = arith.constant 0 : i32
    return %arg0, %c0_i32 : i32, i32
  }
  func.func @transform_3(%arg0: i32) -> (i32, i32) {
    %c0_i32 = arith.constant 0 : i32
    %c0_i32_0 = arith.constant 0 : i32
    %c0_i32_1 = arith.constant 0 : i32
    return %c0_i32, %c0_i32_0 : i32, i32
  }
  func.func @transform_4(%arg0: i32) -> (i32, i32) {
    %c0_i32 = arith.constant 0 : i32
    %c0_i32_0 = arith.constant 0 : i32
    %c0_i32_1 = arith.constant 0 : i32
    return %c0_i32, %c0_i32_0 : i32, i32
  }
  func.func @transform_5(%arg0: i32) -> (i32, i32) {
    %c0_i32 = arith.constant 0 : i32
    %c0_i32_0 = arith.constant 0 : i32
    return %arg0, %c0_i32 : i32, i32
  }
}

module attributes {stable_mosaic.version = 14 : i64} {
  func.func @_out_body(%arg0: i32, %arg1: memref<2x1280x128xf32, #tpu.memory_space<vmem>>, %arg2: memref<1280x128xf32, #tpu.memory_space<vmem>>, %arg3: memref<1280x1xf32, #tpu.memory_space<vmem>>, %arg4: memref<8x128xf32, #tpu.memory_space<vmem>>, %arg5: memref<1280x128xf32, #tpu.memory_space<vmem>>) attributes {dimension_semantics = [#tpu.dimension_semantics<arbitrary>], iteration_bounds = array<i64: 8>, scalar_prefetch = 0 : i64, scratch_operands = 0 : i64, tpu.core_type = #tpu.core_type<tc>, window_params = [{transform_indices = @transform_0, window_bounds = array<i64: 2, 1280, 128>}, {transform_indices = @transform_1, window_bounds = array<i64: 1280, 128>}, {transform_indices = @transform_2, window_bounds = array<i64: 1280, 1>}, {pipeline_mode = #tpu.pipeline_mode<synchronous>, transform_indices = @transform_3, window_bounds = array<i64: 8, 128>}, {transform_indices = @transform_4, window_bounds = array<i64: 1280, 128>}]} {
    %get3A = arith.constant 0 : index
    %get3A_0 = arith.constant 0 : index
    %get3A_1 = vector.load %arg3[%get3A, %get3A_0] : memref<1280x1xf32, #tpu.memory_space<vmem>>, vector<1280x1xf32>
    %get3A_2 = arith.constant 0 : index
    %get3A_3 = arith.constant 0 : index
    %get3A_4 = arith.constant 0 : index
    %get3A_5 = vector.load %arg1[%get3A_2, %get3A_3, %get3A_4] : memref<2x1280x128xf32, #tpu.memory_space<vmem>>, vector<1x1280x128xf32>
    %get3A_6 = vector.shape_cast %get3A_5 : vector<1x1280x128xf32> to vector<1280x128xf32>
    %get3A_7 = arith.constant 1 : index
    %get3A_8 = arith.constant 0 : index
    %get3A_9 = arith.constant 0 : index
    %get3A_10 = vector.load %arg1[%get3A_7, %get3A_8, %get3A_9] : memref<2x1280x128xf32, #tpu.memory_space<vmem>>, vector<1x1280x128xf32>
    %get3A_11 = vector.shape_cast %get3A_10 : vector<1x1280x128xf32> to vector<1280x128xf32>
    %add3A = arith.addf %get3A_6, %get3A_11 : vector<1280x128xf32>
    %get3A_12 = arith.constant 0 : index
    %get3A_13 = arith.constant 0 : index
    %get3A_14 = vector.load %arg2[%get3A_12, %get3A_13] : memref<1280x128xf32, #tpu.memory_space<vmem>>, vector<1280x128xf32>
    %add3A_15 = arith.addf %add3A, %get3A_14 : vector<1280x128xf32>
    %mul3A = vector.broadcast %get3A_1 : vector<1280x1xf32> to vector<1280x128xf32>
    %mul3A_16 = arith.mulf %mul3A, %add3A_15 : vector<1280x128xf32>
    %get3A_17 = arith.constant 5 : index
    %get3A_18 = arith.constant 0 : index
    %get3A_19 = vector.load %arg4[%get3A_17, %get3A_18] : memref<8x128xf32, #tpu.memory_space<vmem>>, vector<1x128xf32>
    %add3A_20 = vector.broadcast %get3A_19 : vector<1x128xf32> to vector<1280x128xf32>
    %add3A_21 = arith.addf %mul3A_16, %add3A_20 : vector<1280x128xf32>
    %swap3A = arith.constant 0 : index
    %swap3A_22 = arith.constant 0 : index
    %swap3A_23 = vector.load %arg5[%swap3A, %swap3A_22] : memref<1280x128xf32, #tpu.memory_space<vmem>>, vector<1280x128xf32>
    tpu.vector_store %arg5[%swap3A, %swap3A_22], %add3A_21 {strides = array<i32>} : memref<1280x128xf32, #tpu.memory_space<vmem>>, vector<1280x128xf32>,
    return
  }
  func.func @transform_0(%arg0: i32) -> (i32, i32, i32) {
    %c0_i32 = arith.constant 0 : i32
    %c0_i32_0 = arith.constant 0 : i32
    %c0_i32_1 = arith.constant 0 : i32
    return %c0_i32, %arg0, %c0_i32_0 : i32, i32, i32
  }
  func.func @transform_1(%arg0: i32) -> (i32, i32) {
    %c0_i32 = arith.constant 0 : i32
    %c0_i32_0 = arith.constant 0 : i32
    return %arg0, %c0_i32 : i32, i32
  }
  func.func @transform_2(%arg0: i32) -> (i32, i32) {
    %c0_i32 = arith.constant 0 : i32
    %c0_i32_0 = arith.constant 0 : i32
    return %arg0, %c0_i32 : i32, i32
  }
  func.func @transform_3(%arg0: i32) -> (i32, i32) {
    %c0_i32 = arith.constant 0 : i32
    %c0_i32_0 = arith.constant 0 : i32
    %c0_i32_1 = arith.constant 0 : i32
    return %c0_i32, %c0_i32_0 : i32, i32
  }
  func.func @transform_4(%arg0: i32) -> (i32, i32) {
    %c0_i32 = arith.constant 0 : i32
    %c0_i32_0 = arith.constant 0 : i32
    return %arg0, %c0_i32 : i32, i32
  }
}

</mosaic_0001>

<sc_bundles>
// kernel: kernel.11.cloned.1.call-start
scs
__scs_entry_jumppad:
0x0: {  	(pc) =	sbr.rel $0x88, $3  }
0x1: {  	(tag) =	ssettag $0x0;
	lr =	simm.s32 $0x1  }
0x2: {  	[smem:$0x3F97] =	sst lr;
	_ =	strace $0xD0000000  }
0x3: {  	_ = 	snop  }
0x4: {  	_ = 	snop  }
0x5: {  	_ = 	snop  }
0x6: {  	_ = 	snop  }
0x7: {  	_ = 	snop  }
__scs_overlays_trampoline_lowered:
0x8: {  	[smem:$0x3FA6] =	sst s0  }
0x9: {  	[smem:$0x3FA7] =	sst s1  }
0xa: {  	[smem:$0x3FA8] =	sst s2  }
0xb: {  	[smem:$0x3FA9] =	sst s3  }
0xc: {  	[smem:$0x3FAA] =	sst s4  }
0xd: {  	[smem:$0x3FAB] =	sst s5  }
0xe: {  	[smem:$0x3FAC] =	sst s6  }
0xf: {  	[smem:$0x3FAD] =	sst s7  }
0x10: {  	[smem:$0x3FAE] =	sst s8  }
0x11: {  	[smem:$0x3FAF] =	sst s9;
	s0 =	simm.s32 @!p0 $0x0  }
0x12: {  	s1 =	sld [smem:$0x3F95];
	s0 =	simm.s32 @p0 $0x1  }
0x13: {  	[smem:$0x3FB0] =	sst s0;
	s0 =	simm.s32 @!p1 $0x0  }
0x14: {  	s2 =	sld [smem:$0x3F94];
	s0 =	simm.s32 @p1 $0x1  }
0x15: {  	[smem:$0x3FB1] =	sst s0;
	s0 =	simm.s32 @!p2 $0x0  }
0x16: {  	s3 =	sld [smem:$0x3FDB];
	s0 =	simm.s32 @p2 $0x1  }
0x17: {  	s4 =	simm.s32 $0x1BF5;
	[smem:$0x3FB3] =	sst s0  }
0x18: {  	s0 =	sld [smem:$0x3F96];
	_ =	swait.ge [sflag:s4], $0x0  }
0x19: {  	s7 =	sld [smem:$0x3F97]  }
0x1a: {  	s8 =	sadd.s32 $0xFFFFE003, lr  }
0x1b: {  	s9 =	sadd.s32 $0xFFFFFEF7, lr;
	s5 =	simm.s32 $0xFFFFFFFF;
	p2 =	slt.u32 s8, $0xFFFFF086  }
0x1c: {  	p1 =	slt.u32 s9, $0xF7A;
	s5 =	simm.s32 @!p2 $0x0  }
0x1d: {  	s5 =	simm.s32 @p1 $0x1;
	p0 =	seq.s32 s7, s2  }
0x1e: {  	s7 =	smul.u32 @!p0 $0xF7A, s2;
	p2 =	seq.s32 @!p0 s5, $0x0  }
0x1f: {  	s9 =	smul.u32 $0xF7A, s1;
	s8 =	simm.s32 @!p0 $0x1BF5;
	p2 =	por !p2, p0  }
0x20: {  	[sflag:s8] =	ssyncset.s32 @!p0 $0xFFFFF086;
	s6 =	sadd.s32 @!p0 s3, s7;
	s7 =	simm.s32 @!p0 $0x108  }
0x21: {  	s3 =	sadd.s32 s3, s9;
	s6 =	sadd.s32 @!p0 $0x88, s6;
	s7 =	simm.s32 @p2 $0x1082  }
0x22: {  	[simem:s7], [sflag:s8] =	dma.local @!p0 [hbm:s6], $0xF7A  }
0x23: {  	s9 =	sor.u32 $0xD0000000, s2;
	s6 =	simm.s32 $0x108;
	_ =	swait.ge @!p0 [sflag:s8], $0x0  }
0x24: {  	s3 =	sadd.s32 $0x88, s3;
	s6 =	simm.s32 @!p1 $0x1082;
	[sflag:s4] =	ssyncset.s32 $0xFFFFF086  }
0x25: {  	[simem:s6], [sflag:s4] =	dma.local [hbm:s3], $0xF7A  }
0x26: {  	[smem:$0x3F97] =	sst s1;
	(tag) =	ssettag s2;
	_ =	strace s9  }
0x27: {  	s1 =	sld [smem:$0x3FA7]  }
0x28: {  	s2 =	sld [smem:$0x3FA8]  }
0x29: {  	s4 =	sld [smem:$0x3FAA]  }
0x2a: {  	p0 =	seq.s32 s5, $0x0;
	s5 =	sld [smem:$0x3FAB]  }
0x2b: {  	s6 =	sld [smem:$0x3FAC]  }
0x2c: {  	s7 =	sld [smem:$0x3FAD]  }
0x2d: {  	s3 =	simm.s32 $0x108;
	s8 =	sld [smem:$0x3FAE]  }
0x2e: {  	s3 =	simm.s32 @!p0 $0x1082;
	s9 =	sld [smem:$0x3FAF]  }
0x2f: {  	lr =	sadd.s32 s0, s3;
	s0 =	sld [smem:$0x3FA6]  }
0x30: {  	s3 =	sld [smem:$0x3FA9]  }
0x31: {  	[smem:$0x3FB2] =	sst s10  }
0x32: {  	s10 =	sld [smem:$0x3FB0];
	_ =	sdelay $0x3  }
0x33: {  	p0 =	seq.s32 s10, $0x1;
	s10 =	sld [smem:$0x3FB2];
	_ =	sdelay $0x3  }
0x34: {  	[smem:$0x3FB2] =	sst s10  }
0x35: {  	s10 =	sld [smem:$0x3FB1];
	_ =	sdelay $0x3  }
0x36: {  	p1 =	seq.s32 s10, $0x1;
	s10 =	sld [smem:$0x3FB2];
	_ =	sdelay $0x3  }
0x37: {  	[smem:$0x3FB2] =	sst s10  }
0x38: {  	s10 =	sld [smem:$0x3FB3]  }
0x39: {  	_ = 	snop;
	(pc) =	sbr.ind lr, $3  }
0x3a: {  	_ = 	snop  }
0x3b: {  	_ = 	snop  }
0x3c: {  	p2 =	seq.s32 s10, $0x1;
	s10 =	sld [smem:$0x3FB2]  }
0x3d: {  	_ =	shalt  }
0x3e: {  	_ =	shalt  }
0x3f: {  	_ =	shalt  }
0x40: {  	_ =	shalt  }
0x41: {  	_ =	shalt  }
0x42: {  	_ =	shalt  }
0x43: {  	_ =	shalt  }
0x44: {  	_ =	shalt  }
0x45: {  	_ =	shalt  }
0x46: {  	_ =	shalt  }
0x47: {  	_ =	shalt  }
0x48: {  	_ =	shalt  }
0x49: {  	_ =	shalt  }
0x4a: {  	_ =	shalt  }
0x4b: {  	_ =	shalt  }
0x4c: {  	_ =	shalt  }
0x4d: {  	_ =	shalt  }
0x4e: {  	_ =	shalt  }
0x4f: {  	_ =	shalt  }
0x50: {  	_ =	shalt  }
0x51: {  	_ =	shalt  }
0x52: {  	_ =	shalt  }
0x53: {  	_ =	shalt  }
0x54: {  	_ =	shalt  }
0x55: {  	_ =	shalt  }
0x56: {  	_ =	shalt  }
0x57: {  	_ =	shalt  }
0x58: {  	_ =	shalt  }
0x59: {  	_ =	shalt  }
0x5a: {  	_ =	shalt  }
0x5b: {  	_ =	shalt  }
0x5c: {  	_ =	shalt  }
0x5d: {  	_ =	shalt  }
0x5e: {  	_ =	shalt  }
0x5f: {  	_ =	shalt  }
0x60: {  	_ =	shalt  }
0x61: {  	_ =	shalt  }
0x62: {  	_ =	shalt  }
0x63: {  	_ =	shalt  }
0x64: {  	_ =	shalt  }
0x65: {  	_ =	shalt  }
0x66: {  	_ =	shalt  }
0x67: {  	_ =	shalt  }
0x68: {  	_ =	shalt  }
0x69: {  	_ =	shalt  }
0x6a: {  	_ =	shalt  }
0x6b: {  	_ =	shalt  }
0x6c: {  	_ =	shalt  }
0x6d: {  	_ =	shalt  }
0x6e: {  	_ =	shalt  }
0x6f: {  	_ =	shalt  }
0x70: {  	_ =	shalt  }
0x71: {  	_ =	shalt  }
0x72: {  	_ =	shalt  }
0x73: {  	_ =	shalt  }
0x74: {  	_ =	shalt  }
0x75: {  	_ =	shalt  }
0x76: {  	_ =	shalt  }
0x77: {  	_ =	shalt  }
0x78: {  	_ =	shalt  }
0x79: {  	_ =	shalt  }
0x7a: {  	_ =	shalt  }
0x7b: {  	_ =	shalt  }
0x7c: {  	_ =	shalt  }
0x7d: {  	_ =	shalt  }
0x7e: {  	_ =	shalt  }
0x7f: {  	_ =	shalt  }
0x80: {  	_ =	shalt  }
0x81: {  	_ =	shalt  }
0x82: {  	_ =	shalt  }
0x83: {  	_ =	shalt  }
0x84: {  	_ =	shalt  }
0x85: {  	_ =	shalt  }
0x86: {  	_ =	shalt  }
0x87: {  	_ =	shalt  }
.Lfunc_end0:
.L_simem_size_0:
called_computation.1_lowered:
.L_overlay_start_0:
0x88: {  	s2 =	sld [smem:$0x3FD9]  }
0x89: {  	s3 =	sld [smem:$0x3FFE];
	_ =	sdelay $0x1  }
0x8a: {  	s1 =	srdreg.scid  }
0x8b: {  	s0 =	sand.u32 $0x1, s1  }
0x8c: {  	s17 =	sshll.u32 s0, $0xA;
	s2 =	sadd.s32 s3, s2  }
0x8d: {  	s2 =	sadd.s32 s2, s17  }
0x8e: {  	[smem:$0x3FBE] =	sst s2  }
0x8f: {  	_ = 	snop  }
0x90: {  	s2 =	sld [smem:$0x3FD0];
	(tm) =	ssettm $0x1  }
0x91: {  	s18 =	sld [smem:$0x3FFB];
	_ =	sdelay $0x3  }
0x92: {  	_ =	strace s18  }
0x93: {  	s3 =	sld [smem:$0x3FFC];
	_ =	sdelay $0x3  }
0x94: {  	_ =	strace s3  }
0x95: {  	s3 =	sld [smem:$0x3FFD];
	_ =	sdelay $0x3  }
0x96: {  	_ =	strace s3  }
0x97: {  	_ =	strace $0x8FFFFFFF  }
0x98: {  	s19 =	sld [smem:$0x3FDB];
	_ =	sdelay $0x1  }
0x99: {  	s4 =	simm.s32 $_scs_section_size  }
0x9a: {  	s5 =	simm.s32 $_size__tile_overlayer_lowered;
	s6 =	simm.s32 $_tile_overlayer_lowered  }
0x9b: {  	s22 =	simm.s32 $0x1BFF;
	s21 =	sshll.u32 s6, $0x1;
	s3 =	sadd.s32 s4, s19  }
0x9c: {  	s7 =	simm.s32 $0x0;
	s20 =	sshll.u32 s5, $0x1;
	s5 =	sadd.s32 s21, s3  }
0x9d: {  	[timem:s7], [sflag:s22] =	dma.local [hbm:s5], s20  }
0x9e: {  	_ =	swait.ge [sflag:s22], s20  }
0x9f: {  	s4 =	ssub.s32 $0x0, s20;
	[sflag:s22] =	ssyncset.done $0x0  }
0xa0: {  	[sflag:s22] =	ssyncadd.s32 s4;
	_ =	sdelay $0x1  }
0xa1: {  	s23 =	simm.s32 $0x1B8B  }
0xa2: {  	_ =	swait.ge [sflag:s23], $0x1  }
0xa3: {  	[sflag:s23] =	ssyncset.done $0x0  }
0xa4: {  	s25 =	simm.s32 $0x1B8E;
	s24 =	sld [smem:$0x3FFE];
	[sflag:s23] =	ssyncadd.s32 $0xFFFFFFFF  }
0xa5: {  	s26 =	simm.s32 $execute0_lowered;
	[smem:$0x3FD2] =	sst s25  }
0xa6: {  	s5 =	sshll.u32 s26, $0x1;
	_ =	strace $0x80000049;
	[dreg:$0x1] =	wrdreg $0xFFFFFFFF  }
0xa7: {  	s28 =	simm.s32 $_size_execute0_lowered;
	s3 =	sadd.s32 s3, s5;
	[dreg:$0x0] =	wrdreg $0x0  }
0xa8: {  	s5 =	sshll.u32 s28, $0x1;
	[dreg:$0x2] =	wrdreg s3  }
0xa9: {  	[dreg:$0x3] =	wrdreg s5  }
0xaa: {  	[dreg:$0x4] =	wrdreg $0xC0  }
0xab: {  	_ =	task [dreg:s7], $0x5FFFF  }
0xac: {  	[dreg:$0x1] =	wrdreg $0xFFFFFFFF  }
0xad: {  	[dreg:$0x0] =	wrdreg $0x60  }
0xae: {  	[dreg:$0x2] =	wrdreg s24  }
0xaf: {  	[dreg:$0x3] =	wrdreg s2  }
0xb0: {  	[dreg:$0x4] =	wrdreg $0x90000  }
0xb1: {  	[dreg:$0x5] =	wrdreg $0x9  }
0xb2: {  	_ =	task.clear_ibuf [dreg:s7], $0x6FFFF;
	_ =	strace $0x90000049  }
0xb3: {  	s29 =	simm.s32 $0x9;
	_ =	strace $0x8000004B  }
0xb4: {  	_ =	swait.ge [sflag:s29], $0x1  }
0xb5: {  	[sflag:s29] =	ssyncadd.s32 $0xFFFFFFFF  }
0xb6: {  	_ =	strace $0x9000004B  }
0xb7: {  	_ =	sfence  }
0xb8: {  	s30 =	sld [smem:$0x0];
	_ =	sdelay $0x2  }
0xb9: {  	s31 =	sshll.u32 s1, $0xD;
	s1 =	sshrl.u32 s1, $0x2  }
0xba: {  	s3 =	sand.u32 $0x4000, s31;
	s1 =	sadd.s32 s1, s30  }
0xbb: {  	s0 =	sor.u32 s3, s0;
	s1 =	sshll.u32 s1, $0x11  }
0xbc: {  	s0 =	sor.u32 s1, s0  }
0xbd: {  	s0 =	sadd.s32 $0x8F2B, s0  }
0xbe: {  	[sflag:s0] =	ssyncadd.remote.s32 $0x1  }
0xbf: {  	_ =	sfence.sel $0xFFFF  }
0xc0: {  	[dreg:$0x0] =	wrdreg $0xFFFFFFFF;
	(pc) =	sbr.abs _section_cstart, $3  }
0xc1: {  	[dreg:$0x1] =	wrdreg $0xFFFFFFFF  }
0xc2: {  	_ =	task.clear_ibuf [dreg:s7], $0x2FFFF;
	_ =	strace $0x9FFFFFFF  }
0xc3: {  	(tm) =	ssettm $0x7FFFFFFF  }
tec
execute0_lowered:
.L_overlay_start_1:
0x0: {  	(tag) =	ssettag $0x1  }
0x1: {  	s6 =	rddreg [dreg:$0x0]  }
0x2: {  	s0 =	srdreg.scid;
	s10 =	rddreg [dreg:$0x1]  }
0x3: {  	s2 =	rddreg [dreg:$0x2];
	s3 =	simm.s32 $0x0;
	s15 =	simm.s32 $0x2  }
0x4: {  	s16 =	simm.s32 $0x2800;
	s17 =	simm.s32 $0x80;
	s5 =	sand.u32 $0x1, s0  }
0x5: {  	s18 =	simm.s32 $0x1;
	s0 =	stileid.u32;
	s7 =	smul.u32 $0x140000, s5  }
0x6: {  	[smem:$0x7FF] =	sst s3;
	s4 =	sadd.s32 $0xCE00, s6;
	s8 =	smul.u32 $0x14000, s0  }
0x7: {  	s1 =	sshll.u32 s5, $0x4;
	s9 =	smul.u32 $0x50000, s0;
	s29 =	ssub.s32 $0x2, s5  }
0x8: {  	s19 =	sshll.u32 s0, $0x6;
	s1 =	sor.u32 s0, s1;
	s31 =	sshrl.u32 s29, $0x1  }
0x9: {  	s19 =	sor.u32 $0x1C02, s19;
	s11 =	smul.u32 $0x500, s1;
	s1 =	rddreg [dreg:$0x3]  }
0xa: {  	_ =	strace $0x8000004A;
	s7 =	sadd.s32 s8, s7;
	s30 =	sshrl.u32 s9, $0x2  }
0xb: {  	s14 =	ssub.s32 s29, s31;
	s7 =	sshrl.u32 s7, $0x3;
	s5 =	sadd.s32 s30, s2  }
0xc: {  	s12 =	sadd.s32 s11, s6;
	s13 =	sadd.s32 s7, s6;
	s6 =	sadd.s32 $0x4000, s5  }
0xd: {  	s7 =	sadd.s32 $0x8000, s5;
	s8 =	sadd.s32 $0xC000, s5;
	s9 =	sadd.s32 $0x10000, s5  }
0xe: {  	s10 =	sadd.s32 s10, s11;
	s20 =	sshrl.u32 s5, $0x3;
	s11 =	sadd.s32 $0x2E00, s12  }
0xf: {  	v0 =	vimm.f32 $0.0e+00;
	s12 =	sadd.s32 $0x34E00, s13;
	s13 =	smax.u32 s14, $0x1;
	s14 =	simm.s32 $0x5000  }
.LBB2_1:
0x10: {  	s21 =	simm.s32 $0x0;
	s22 =	simm.s32 $0x200  }
.LBB2_2:
0x11: {  	p0 =	sne.s32 s22, $0xFE00;
	[tilespmem:s21+$0x5070] =	vst v0  }
0x12: {  	[tilespmem:s21+$0x5000] =	vst v0  }
0x13: {  	[tilespmem:s21+$0x5010] =	vst v0  }
.Ltmp0:
0x14: {  	[tilespmem:s21+$0x5020] =	vst v0;
	(pc) =	sbr.rel @p0 .LBB2_2-.Ltmp0, $4  }
0x15: {  	[tilespmem:s21+$0x5030] =	vst v0  }
0x16: {  	[tilespmem:s21+$0x5040] =	vst v0  }
0x17: {  	[tilespmem:s21+$0x5050] =	vst v0  }
0x18: {  	[tilespmem:s21+$0x5060] =	vst v0;
	s21 =	sshra.s32 s22, $0x2;
	s22 =	sadd.s32 $0x200, s22  }
0x19: {  	[tilespmem:s21+$0x5070] =	vst v0  }
0x1a: {  	[tilespmem:s21+$0x5000] =	vst v0  }
0x1b: {  	[tilespmem:s21+$0x5010] =	vst v0  }
0x1c: {  	[tilespmem:s21+$0x5020] =	vst v0  }
0x1d: {  	[tilespmem:s21+$0x5030] =	vst v0  }
0x1e: {  	[tilespmem:s21+$0x5040] =	vst v0  }
0x1f: {  	[tilespmem:s21+$0x5050] =	vst v0  }
0x20: {  	[tilespmem:s21+$0x5060] =	vst v0  }
0x21: {  	[spmem:s5] =	stream.linear.scatter [tilespmem:s14], [sflag:$0x2], $0x4000, $0x38;
	[tilespmem:$0x1D000] =	vst v63  }
0x22: {  	_ =	swait.ge [sflag:s15], $0x4000  }
0x23: {  	[sflag:s15] =	ssyncset.done $0x0  }
0x24: {  	[sflag:s15] =	ssyncadd.s32 $0xFFFFC000  }
0x25: {  	[spmem:s6] =	stream.linear.scatter [tilespmem:s14], [sflag:$0x2], $0x4000, $0x38;
	[tilespmem:$0x1D000] =	vst v63  }
0x26: {  	_ =	swait.ge [sflag:s15], $0x4000  }
0x27: {  	[sflag:s15] =	ssyncset.done $0x0  }
0x28: {  	[sflag:s15] =	ssyncadd.s32 $0xFFFFC000  }
0x29: {  	[spmem:s7] =	stream.linear.scatter [tilespmem:s14], [sflag:$0x2], $0x4000, $0x38;
	[tilespmem:$0x1D000] =	vst v63  }
0x2a: {  	_ =	swait.ge [sflag:s15], $0x4000  }
0x2b: {  	[sflag:s15] =	ssyncset.done $0x0  }
0x2c: {  	[sflag:s15] =	ssyncadd.s32 $0xFFFFC000  }
0x2d: {  	[spmem:s8] =	stream.linear.scatter [tilespmem:s14], [sflag:$0x2], $0x4000, $0x38;
	[tilespmem:$0x1D000] =	vst v63  }
0x2e: {  	_ =	swait.ge [sflag:s15], $0x4000  }
0x2f: {  	[sflag:s15] =	ssyncset.done $0x0  }
0x30: {  	[sflag:s15] =	ssyncadd.s32 $0xFFFFC000  }
0x31: {  	[spmem:s9] =	stream.linear.scatter [tilespmem:s14], [sflag:$0x2], $0x4000, $0x38;
	[tilespmem:$0x1D000] =	vst v63  }
0x32: {  	_ =	swait.ge [sflag:s15], $0x4000  }
0x33: {  	[sflag:s15] =	ssyncset.done $0x0  }
0x34: {  	[sflag:s15] =	ssyncadd.s32 $0xFFFFC000  }
0x35: {  	s29 =	simm.s32 $0x0;
	[bflag:$0x0] =	sbarrier.arrive $0xFFFF  }
0x36: {  	[tilespmem:s29], [sflag:$0x2] =	stream.linear.gather [hbm4b:s10+s29], $0x2800, $0x38;
	[tilespmem:$0x1D000] =	vst v63  }
0x37: {  	_ =	swait.ge [sflag:s15], $0x2800  }
0x38: {  	[sflag:s15] =	ssyncset.done $0x0  }
0x39: {  	[sflag:s15] =	ssyncadd.s32 $0xFFFFD800  }
0x3a: {  	[tilespmem:s16], [sflag:$0x2] =	stream.linear.gather [hbm4b:s11+s29], $0x2800, $0x38;
	[tilespmem:$0x1D000] =	vst v63  }
0x3b: {  	_ =	swait.ge [sflag:s15], $0x2800  }
0x3c: {  	[sflag:s15] =	ssyncset.done $0x0  }
0x3d: {  	s30 =	simm.s32 $0x0;
	[sflag:s15] =	ssyncadd.s32 $0xFFFFD800  }
0x3e: {  	[tilespmem:s14], [sflag:$0x1] =	stream.indirect.gather [hbm4b:s4+s17], $0x80, s30, s17, $0xb8;
	[tilespmem:$0x1D000] =	vst v63  }
0x3f: {  	_ =	swait.ge [sflag:s18], $0x4000  }
0x40: {  	[sflag:s18] =	ssyncset.done $0x0  }
0x41: {  	s31 =	simm.s32 $0x2800;
	[sflag:s18] =	ssyncadd.s32 $0xFFFFC000  }
0x42: {  	[spmem:s2] =	stream.indirect.scatter.add.f32 [tilespmem:s14], [sflag:$0x2], $0x80, s31, s17, $0xb8;
	[tilespmem:$0x1D000] =	vst v63  }
0x43: {  	_ =	swait.ge [sflag:s15], $0x4000  }
0x44: {  	s21 =	simm.s32 $0x200;
	s22 =	simm.s32 $0x400;
	[sflag:s15] =	ssyncset.done $0x0  }
.LBB2_4:
0x45: {  	s23 =	sshra.s32 s21, $0x2  }
0x46: {  	[sflag:s15] =	ssyncadd.s32 $0xFFFFC000;
	s21 =	smov.u32 s22;
	s24 =	sadd.s32 $0x200, s22  }
0x47: {  	[tilespmem:s14], [sflag:$0x1] =	stream.indirect.gather [hbm4b:s4+s17], $0x80, s23, s17, $0xb8;
	[tilespmem:$0x1D000] =	vst v63  }
0x48: {  	p0 =	sne.s32 s22, $0x9E00;
	_ =	swait.ge [sflag:s18], $0x4000  }
.Ltmp1:
0x49: {  	[sflag:s18] =	ssyncset.done $0x0;
	(pc) =	sbr.rel @p0 .LBB2_4-.Ltmp1, $4  }
0x4a: {  	s22 =	sadd.s32 $0x2800, s23;
	[sflag:s18] =	ssyncadd.s32 $0xFFFFC000  }
0x4b: {  	[spmem:s2] =	stream.indirect.scatter.add.f32 [tilespmem:s14], [sflag:$0x2], $0x80, s22, s17, $0xb8;
	[tilespmem:$0x1D000] =	vst v63  }
0x4c: {  	_ =	swait.ge [sflag:s15], $0x4000  }
0x4d: {  	s22 =	smov.u32 s24;
	[sflag:s15] =	ssyncset.done $0x0  }
0x4e: {  	s21 =	sshra.s32 s21, $0x2;
	[sflag:s15] =	ssyncadd.s32 $0xFFFFC000  }
0x4f: {  	[tilespmem:s14], [sflag:$0x1] =	stream.indirect.gather [hbm4b:s4+s17], $0x80, s21, s17, $0xb8;
	[tilespmem:$0x1D000] =	vst v63  }
0x50: {  	_ =	swait.ge [sflag:s18], $0x4000  }
0x51: {  	[sflag:s18] =	ssyncset.done $0x0  }
0x52: {  	s21 =	sadd.s32 $0x2800, s21;
	[sflag:s18] =	ssyncadd.s32 $0xFFFFC000  }
0x53: {  	[spmem:s2] =	stream.indirect.scatter.add.f32 [tilespmem:s14], [sflag:$0x2], $0x80, s21, s17, $0xb8;
	[tilespmem:$0x1D000] =	vst v63  }
0x54: {  	_ =	swait.ge [sflag:s15], $0x4000  }
0x55: {  	s3 =	sadd.s32 $0x1, s3;
	[sflag:s15] =	ssyncset.done $0x0  }
0x56: {  	p0 =	sne.s32 s3, s13;
	[sflag:s15] =	ssyncadd.s32 $0xFFFFC000  }
.Ltmp2:
0x57: {  	[bflag:$0x0] =	sbarrier.arrive $0xFFFF;
	(pc) =	sbr.rel @p0 .LBB2_1-.Ltmp2, $4  }
0x58: {  	[hbm:s12], [sflag:s19] =	dma.local [spmem:s20], $0x2800  }
0x59: {  	_ =	swait.ge [sflag:s15], $0x2800  }
0x5a: {  	[sflag:s15] =	ssyncset.done $0x0  }
0x5b: {  	[sflag:s15] =	ssyncadd.s32 $0xFFFFD800  }
0x5c: {  	_ =	sfence.sel $0x180000  }
0x5d: {  	[bflag:$0x0] =	sbarrier.arrive $0xFFFF  }
0x5e: {  	p0 =	sne.s32 s0, $0x0;
	_ =	strace $0x9000004A  }
0x5f: {  	s0 =	sadd.s32 @!p0 $0x100000, s1;
	[bflag:$0x2] =	sbarrier.arrive $0xFFFF  }
0x60: {  	[sflag:s0] =	ssyncadd.tile.s32 @!p0 $0x1;
	_ =	shalt  }
.Lfunc_end2:
_tile_overlayer_lowered:
.L_overlay_start_2:
0x61: {  	(tag) =	ssettag $0x2  }
0x62: {  	s0 =	rddreg [dreg:$0x0];
	s2 =	stileid.u32  }
0x63: {  	s1 =	rddreg [dreg:$0x1];
	p0 =	sne.s32 s2, $0x0  }
0x64: {  	s3 =	rddreg [dreg:$0x2];
	[bflag:$0x3] =	sbarrier.arrive $0xFFFF;
	s2 =	simm.s32 @!p0 $0x1C02  }
0x65: {  	[timem:s3], [sflag:s2] =	dma.local @!p0 [hbm:s0], s1  }
0x66: {  	s0 =	simm.s32 @!p0 $0x2  }
0x67: {  	_ =	swait.ge @!p0 [sflag:s0], s1  }
0x68: {  	s1 =	ssub.s32 @!p0 $0x0, s1;
	[sflag:s0] =	ssyncset.done @!p0 $0x0  }
0x69: {  	[sflag:s0] =	ssyncadd.s32 @!p0 s1  }
0x6a: {  	[bflag:$0x3] =	sbarrier.arrive $0xFFFF  }
0x6b: {  	_ =	shalt  }

// kernel: kernel.14.cloned.1.call-start
scs
__scs_entry_jumppad:
0x0: {  	(pc) =	sbr.rel $0x88, $3  }
0x1: {  	(tag) =	ssettag $0x0;
	lr =	simm.s32 $0x1  }
0x2: {  	[smem:$0x3F97] =	sst lr;
	_ =	strace $0xD0000000  }
0x3: {  	_ = 	snop  }
0x4: {  	_ = 	snop  }
0x5: {  	_ = 	snop  }
0x6: {  	_ = 	snop  }
0x7: {  	_ = 	snop  }
__scs_overlays_trampoline_lowered:
0x8: {  	[smem:$0x3FA6] =	sst s0  }
0x9: {  	[smem:$0x3FA7] =	sst s1  }
0xa: {  	[smem:$0x3FA8] =	sst s2  }
0xb: {  	[smem:$0x3FA9] =	sst s3  }
0xc: {  	[smem:$0x3FAA] =	sst s4  }
0xd: {  	[smem:$0x3FAB] =	sst s5  }
0xe: {  	[smem:$0x3FAC] =	sst s6  }
0xf: {  	[smem:$0x3FAD] =	sst s7  }
0x10: {  	[smem:$0x3FAE] =	sst s8  }
0x11: {  	[smem:$0x3FAF] =	sst s9;
	s0 =	simm.s32 @!p0 $0x0  }
0x12: {  	s1 =	sld [smem:$0x3F95];
	s0 =	simm.s32 @p0 $0x1  }
0x13: {  	[smem:$0x3FB0] =	sst s0;
	s0 =	simm.s32 @!p1 $0x0  }
0x14: {  	s2 =	sld [smem:$0x3F94];
	s0 =	simm.s32 @p1 $0x1  }
0x15: {  	[smem:$0x3FB1] =	sst s0;
	s0 =	simm.s32 @!p2 $0x0  }
0x16: {  	s3 =	sld [smem:$0x3FDB];
	s0 =	simm.s32 @p2 $0x1  }
0x17: {  	s4 =	simm.s32 $0x1BF5;
	[smem:$0x3FB3] =	sst s0  }
0x18: {  	s0 =	sld [smem:$0x3F96];
	_ =	swait.ge [sflag:s4], $0x0  }
0x19: {  	s7 =	sld [smem:$0x3F97]  }
0x1a: {  	s8 =	sadd.s32 $0xFFFFE003, lr  }
0x1b: {  	s9 =	sadd.s32 $0xFFFFFEF7, lr;
	s5 =	simm.s32 $0xFFFFFFFF;
	p2 =	slt.u32 s8, $0xFFFFF086  }
0x1c: {  	p1 =	slt.u32 s9, $0xF7A;
	s5 =	simm.s32 @!p2 $0x0  }
0x1d: {  	s5 =	simm.s32 @p1 $0x1;
	p0 =	seq.s32 s7, s2  }
0x1e: {  	s7 =	smul.u32 @!p0 $0xF7A, s2;
	p2 =	seq.s32 @!p0 s5, $0x0  }
0x1f: {  	s9 =	smul.u32 $0xF7A, s1;
	s8 =	simm.s32 @!p0 $0x1BF5;
	p2 =	por !p2, p0  }
0x20: {  	[sflag:s8] =	ssyncset.s32 @!p0 $0xFFFFF086;
	s6 =	sadd.s32 @!p0 s3, s7;
	s7 =	simm.s32 @!p0 $0x108  }
0x21: {  	s3 =	sadd.s32 s3, s9;
	s6 =	sadd.s32 @!p0 $0x88, s6;
	s7 =	simm.s32 @p2 $0x1082  }
0x22: {  	[simem:s7], [sflag:s8] =	dma.local @!p0 [hbm:s6], $0xF7A  }
0x23: {  	s9 =	sor.u32 $0xD0000000, s2;
	s6 =	simm.s32 $0x108;
	_ =	swait.ge @!p0 [sflag:s8], $0x0  }
0x24: {  	s3 =	sadd.s32 $0x88, s3;
	s6 =	simm.s32 @!p1 $0x1082;
	[sflag:s4] =	ssyncset.s32 $0xFFFFF086  }
0x25: {  	[simem:s6], [sflag:s4] =	dma.local [hbm:s3], $0xF7A  }
0x26: {  	[smem:$0x3F97] =	sst s1;
	(tag) =	ssettag s2;
	_ =	strace s9  }
0x27: {  	s1 =	sld [smem:$0x3FA7]  }
0x28: {  	s2 =	sld [smem:$0x3FA8]  }
0x29: {  	s4 =	sld [smem:$0x3FAA]  }
0x2a: {  	p0 =	seq.s32 s5, $0x0;
	s5 =	sld [smem:$0x3FAB]  }
0x2b: {  	s6 =	sld [smem:$0x3FAC]  }
0x2c: {  	s7 =	sld [smem:$0x3FAD]  }
0x2d: {  	s3 =	simm.s32 $0x108;
	s8 =	sld [smem:$0x3FAE]  }
0x2e: {  	s3 =	simm.s32 @!p0 $0x1082;
	s9 =	sld [smem:$0x3FAF]  }
0x2f: {  	lr =	sadd.s32 s0, s3;
	s0 =	sld [smem:$0x3FA6]  }
0x30: {  	s3 =	sld [smem:$0x3FA9]  }
0x31: {  	[smem:$0x3FB2] =	sst s10  }
0x32: {  	s10 =	sld [smem:$0x3FB0];
	_ =	sdelay $0x3  }
0x33: {  	p0 =	seq.s32 s10, $0x1;
	s10 =	sld [smem:$0x3FB2];
	_ =	sdelay $0x3  }
0x34: {  	[smem:$0x3FB2] =	sst s10  }
0x35: {  	s10 =	sld [smem:$0x3FB1];
	_ =	sdelay $0x3  }
0x36: {  	p1 =	seq.s32 s10, $0x1;
	s10 =	sld [smem:$0x3FB2];
	_ =	sdelay $0x3  }
0x37: {  	[smem:$0x3FB2] =	sst s10  }
0x38: {  	s10 =	sld [smem:$0x3FB3]  }
0x39: {  	_ = 	snop;
	(pc) =	sbr.ind lr, $3  }
0x3a: {  	_ = 	snop  }
0x3b: {  	_ = 	snop  }
0x3c: {  	p2 =	seq.s32 s10, $0x1;
	s10 =	sld [smem:$0x3FB2]  }
0x3d: {  	_ =	shalt  }
0x3e: {  	_ =	shalt  }
0x3f: {  	_ =	shalt  }
0x40: {  	_ =	shalt  }
0x41: {  	_ =	shalt  }
0x42: {  	_ =	shalt  }
0x43: {  	_ =	shalt  }
0x44: {  	_ =	shalt  }
0x45: {  	_ =	shalt  }
0x46: {  	_ =	shalt  }
0x47: {  	_ =	shalt  }
0x48: {  	_ =	shalt  }
0x49: {  	_ =	shalt  }
0x4a: {  	_ =	shalt  }
0x4b: {  	_ =	shalt  }
0x4c: {  	_ =	shalt  }
0x4d: {  	_ =	shalt  }
0x4e: {  	_ =	shalt  }
0x4f: {  	_ =	shalt  }
0x50: {  	_ =	shalt  }
0x51: {  	_ =	shalt  }
0x52: {  	_ =	shalt  }
0x53: {  	_ =	shalt  }
0x54: {  	_ =	shalt  }
0x55: {  	_ =	shalt  }
0x56: {  	_ =	shalt  }
0x57: {  	_ =	shalt  }
0x58: {  	_ =	shalt  }
0x59: {  	_ =	shalt  }
0x5a: {  	_ =	shalt  }
0x5b: {  	_ =	shalt  }
0x5c: {  	_ =	shalt  }
0x5d: {  	_ =	shalt  }
0x5e: {  	_ =	shalt  }
0x5f: {  	_ =	shalt  }
0x60: {  	_ =	shalt  }
0x61: {  	_ =	shalt  }
0x62: {  	_ =	shalt  }
0x63: {  	_ =	shalt  }
0x64: {  	_ =	shalt  }
0x65: {  	_ =	shalt  }
0x66: {  	_ =	shalt  }
0x67: {  	_ =	shalt  }
0x68: {  	_ =	shalt  }
0x69: {  	_ =	shalt  }
0x6a: {  	_ =	shalt  }
0x6b: {  	_ =	shalt  }
0x6c: {  	_ =	shalt  }
0x6d: {  	_ =	shalt  }
0x6e: {  	_ =	shalt  }
0x6f: {  	_ =	shalt  }
0x70: {  	_ =	shalt  }
0x71: {  	_ =	shalt  }
0x72: {  	_ =	shalt  }
0x73: {  	_ =	shalt  }
0x74: {  	_ =	shalt  }
0x75: {  	_ =	shalt  }
0x76: {  	_ =	shalt  }
0x77: {  	_ =	shalt  }
0x78: {  	_ =	shalt  }
0x79: {  	_ =	shalt  }
0x7a: {  	_ =	shalt  }
0x7b: {  	_ =	shalt  }
0x7c: {  	_ =	shalt  }
0x7d: {  	_ =	shalt  }
0x7e: {  	_ =	shalt  }
0x7f: {  	_ =	shalt  }
0x80: {  	_ =	shalt  }
0x81: {  	_ =	shalt  }
0x82: {  	_ =	shalt  }
0x83: {  	_ =	shalt  }
0x84: {  	_ =	shalt  }
0x85: {  	_ =	shalt  }
0x86: {  	_ =	shalt  }
0x87: {  	_ =	shalt  }
.Lfunc_end0:
.L_simem_size_0:
called_computation.2_lowered:
.L_overlay_start_0:
0x88: {  	s2 =	sld [smem:$0x3FD9]  }
0x89: {  	s3 =	sld [smem:$0x3FFE];
	_ =	sdelay $0x1  }
0x8a: {  	s1 =	srdreg.scid  }
0x8b: {  	s0 =	sand.u32 $0x1, s1  }
0x8c: {  	s17 =	sshll.u32 s0, $0xA;
	s2 =	sadd.s32 s3, s2  }
0x8d: {  	s2 =	sadd.s32 s2, s17  }
0x8e: {  	[smem:$0x3FBE] =	sst s2  }
0x8f: {  	_ = 	snop  }
0x90: {  	s2 =	sld [smem:$0x3FD0];
	(tm) =	ssettm $0x1  }
0x91: {  	s18 =	sld [smem:$0x3FFB];
	_ =	sdelay $0x3  }
0x92: {  	_ =	strace s18  }
0x93: {  	s3 =	sld [smem:$0x3FFC];
	_ =	sdelay $0x3  }
0x94: {  	_ =	strace s3  }
0x95: {  	s3 =	sld [smem:$0x3FFD];
	_ =	sdelay $0x3  }
0x96: {  	_ =	strace s3  }
0x97: {  	_ =	strace $0x8FFFFFFF  }
0x98: {  	s19 =	sld [smem:$0x3FDB];
	_ =	sdelay $0x1  }
0x99: {  	s4 =	simm.s32 $_scs_section_size  }
0x9a: {  	s5 =	simm.s32 $_size__tile_overlayer_lowered;
	s6 =	simm.s32 $_tile_overlayer_lowered  }
0x9b: {  	s22 =	simm.s32 $0x1BFF;
	s21 =	sshll.u32 s6, $0x1;
	s3 =	sadd.s32 s4, s19  }
0x9c: {  	s7 =	simm.s32 $0x0;
	s20 =	sshll.u32 s5, $0x1;
	s5 =	sadd.s32 s21, s3  }
0x9d: {  	[timem:s7], [sflag:s22] =	dma.local [hbm:s5], s20  }
0x9e: {  	_ =	swait.ge [sflag:s22], s20  }
0x9f: {  	s4 =	ssub.s32 $0x0, s20;
	[sflag:s22] =	ssyncset.done $0x0  }
0xa0: {  	[sflag:s22] =	ssyncadd.s32 s4;
	_ =	sdelay $0x1  }
0xa1: {  	s23 =	simm.s32 $0x1B8B  }
0xa2: {  	_ =	swait.ge [sflag:s23], $0x1  }
0xa3: {  	[sflag:s23] =	ssyncset.done $0x0  }
0xa4: {  	s25 =	simm.s32 $0x1B8E;
	s24 =	sld [smem:$0x3FFE];
	[sflag:s23] =	ssyncadd.s32 $0xFFFFFFFF  }
0xa5: {  	s26 =	simm.s32 $execute0_lowered;
	[smem:$0x3FD2] =	sst s25  }
0xa6: {  	s5 =	sshll.u32 s26, $0x1;
	_ =	strace $0x8000004C;
	[dreg:$0x1] =	wrdreg $0xFFFFFFFF  }
0xa7: {  	s28 =	simm.s32 $_size_execute0_lowered;
	s3 =	sadd.s32 s3, s5;
	[dreg:$0x0] =	wrdreg $0x0  }
0xa8: {  	s5 =	sshll.u32 s28, $0x1;
	[dreg:$0x2] =	wrdreg s3  }
0xa9: {  	[dreg:$0x3] =	wrdreg s5  }
0xaa: {  	[dreg:$0x4] =	wrdreg $0xC0  }
0xab: {  	_ =	task [dreg:s7], $0x5FFFF  }
0xac: {  	[dreg:$0x1] =	wrdreg $0xFFFFFFFF  }
0xad: {  	[dreg:$0x0] =	wrdreg $0x60  }
0xae: {  	[dreg:$0x2] =	wrdreg s24  }
0xaf: {  	[dreg:$0x3] =	wrdreg s2  }
0xb0: {  	[dreg:$0x4] =	wrdreg $0x90000  }
0xb1: {  	[dreg:$0x5] =	wrdreg $0x9  }
0xb2: {  	_ =	task.clear_ibuf [dreg:s7], $0x6FFFF;
	_ =	strace $0x9000004C  }
0xb3: {  	s29 =	simm.s32 $0x9;
	_ =	strace $0x8000004E  }
0xb4: {  	_ =	swait.ge [sflag:s29], $0x1  }
0xb5: {  	[sflag:s29] =	ssyncadd.s32 $0xFFFFFFFF  }
0xb6: {  	_ =	strace $0x9000004E  }
0xb7: {  	_ =	sfence  }
0xb8: {  	s30 =	sld [smem:$0x0];
	_ =	sdelay $0x2  }
0xb9: {  	s31 =	sshll.u32 s1, $0xD;
	s1 =	sshrl.u32 s1, $0x2  }
0xba: {  	s3 =	sand.u32 $0x4000, s31;
	s1 =	sadd.s32 s1, s30  }
0xbb: {  	s0 =	sor.u32 s3, s0;
	s1 =	sshll.u32 s1, $0x11  }
0xbc: {  	s0 =	sor.u32 s1, s0  }
0xbd: {  	s0 =	sadd.s32 $0x8F2B, s0  }
0xbe: {  	[sflag:s0] =	ssyncadd.remote.s32 $0x1  }
0xbf: {  	_ =	sfence.sel $0xFFFF  }
0xc0: {  	[dreg:$0x0] =	wrdreg $0xFFFFFFFF;
	(pc) =	sbr.abs _section_cstart, $3  }
0xc1: {  	[dreg:$0x1] =	wrdreg $0xFFFFFFFF  }
0xc2: {  	_ =	task.clear_ibuf [dreg:s7], $0x2FFFF;
	_ =	strace $0x9FFFFFFF  }
0xc3: {  	(tm) =	ssettm $0x7FFFFFFF  }
tec
execute0_lowered:
.L_overlay_start_1:
0x0: {  	(tag) =	ssettag $0x1  }
0x1: {  	s6 =	rddreg [dreg:$0x0]  }
0x2: {  	s0 =	srdreg.scid;
	s10 =	rddreg [dreg:$0x1]  }
0x3: {  	s2 =	rddreg [dreg:$0x2];
	s3 =	simm.s32 $0x0;
	s15 =	simm.s32 $0x2  }
0x4: {  	s16 =	simm.s32 $0x2800;
	s17 =	simm.s32 $0x80;
	s5 =	sand.u32 $0x1, s0  }
0x5: {  	s18 =	simm.s32 $0x1;
	s0 =	stileid.u32;
	s7 =	smul.u32 $0x140000, s5  }
0x6: {  	[smem:$0x7FF] =	sst s3;
	s4 =	sadd.s32 $0xCE00, s6;
	s8 =	smul.u32 $0x14000, s0  }
0x7: {  	s1 =	sshll.u32 s5, $0x4;
	s9 =	smul.u32 $0x50000, s0;
	s29 =	ssub.s32 $0x2, s5  }
0x8: {  	s19 =	sshll.u32 s0, $0x6;
	s1 =	sor.u32 s0, s1;
	s31 =	sshrl.u32 s29, $0x1  }
0x9: {  	s19 =	sor.u32 $0x1C02, s19;
	s11 =	smul.u32 $0x500, s1;
	s1 =	rddreg [dreg:$0x3]  }
0xa: {  	_ =	strace $0x8000004D;
	s7 =	sadd.s32 s8, s7;
	s30 =	sshrl.u32 s9, $0x2  }
0xb: {  	s14 =	ssub.s32 s29, s31;
	s7 =	sshrl.u32 s7, $0x3;
	s5 =	sadd.s32 s30, s2  }
0xc: {  	s12 =	sadd.s32 s11, s6;
	s13 =	sadd.s32 s7, s6;
	s6 =	sadd.s32 $0x4000, s5  }
0xd: {  	s7 =	sadd.s32 $0x8000, s5;
	s8 =	sadd.s32 $0xC000, s5;
	s9 =	sadd.s32 $0x10000, s5  }
0xe: {  	s10 =	sadd.s32 s10, s11;
	s20 =	sshrl.u32 s5, $0x3;
	s11 =	sadd.s32 $0x2E00, s12  }
0xf: {  	v0 =	vimm.f32 $0.0e+00;
	s12 =	sadd.s32 $0x34E00, s13;
	s13 =	smax.u32 s14, $0x1;
	s14 =	simm.s32 $0x5000  }
.LBB2_1:
0x10: {  	s21 =	simm.s32 $0x0;
	s22 =	simm.s32 $0x200  }
.LBB2_2:
0x11: {  	p0 =	sne.s32 s22, $0xFE00;
	[tilespmem:s21+$0x5070] =	vst v0  }
0x12: {  	[tilespmem:s21+$0x5000] =	vst v0  }
0x13: {  	[tilespmem:s21+$0x5010] =	vst v0  }
.Ltmp0:
0x14: {  	[tilespmem:s21+$0x5020] =	vst v0;
	(pc) =	sbr.rel @p0 .LBB2_2-.Ltmp0, $4  }
0x15: {  	[tilespmem:s21+$0x5030] =	vst v0  }
0x16: {  	[tilespmem:s21+$0x5040] =	vst v0  }
0x17: {  	[tilespmem:s21+$0x5050] =	vst v0  }
0x18: {  	[tilespmem:s21+$0x5060] =	vst v0;
	s21 =	sshra.s32 s22, $0x2;
	s22 =	sadd.s32 $0x200, s22  }
0x19: {  	[tilespmem:s21+$0x5070] =	vst v0  }
0x1a: {  	[tilespmem:s21+$0x5000] =	vst v0  }
0x1b: {  	[tilespmem:s21+$0x5010] =	vst v0  }
0x1c: {  	[tilespmem:s21+$0x5020] =	vst v0  }
0x1d: {  	[tilespmem:s21+$0x5030] =	vst v0  }
0x1e: {  	[tilespmem:s21+$0x5040] =	vst v0  }
0x1f: {  	[tilespmem:s21+$0x5050] =	vst v0  }
0x20: {  	[tilespmem:s21+$0x5060] =	vst v0  }
0x21: {  	[spmem:s5] =	stream.linear.scatter [tilespmem:s14], [sflag:$0x2], $0x4000, $0x38;
	[tilespmem:$0x1D000] =	vst v63  }
0x22: {  	_ =	swait.ge [sflag:s15], $0x4000  }
0x23: {  	[sflag:s15] =	ssyncset.done $0x0  }
0x24: {  	[sflag:s15] =	ssyncadd.s32 $0xFFFFC000  }
0x25: {  	[spmem:s6] =	stream.linear.scatter [tilespmem:s14], [sflag:$0x2], $0x4000, $0x38;
	[tilespmem:$0x1D000] =	vst v63  }
0x26: {  	_ =	swait.ge [sflag:s15], $0x4000  }
0x27: {  	[sflag:s15] =	ssyncset.done $0x0  }
0x28: {  	[sflag:s15] =	ssyncadd.s32 $0xFFFFC000  }
0x29: {  	[spmem:s7] =	stream.linear.scatter [tilespmem:s14], [sflag:$0x2], $0x4000, $0x38;
	[tilespmem:$0x1D000] =	vst v63  }
0x2a: {  	_ =	swait.ge [sflag:s15], $0x4000  }
0x2b: {  	[sflag:s15] =	ssyncset.done $0x0  }
0x2c: {  	[sflag:s15] =	ssyncadd.s32 $0xFFFFC000  }
0x2d: {  	[spmem:s8] =	stream.linear.scatter [tilespmem:s14], [sflag:$0x2], $0x4000, $0x38;
	[tilespmem:$0x1D000] =	vst v63  }
0x2e: {  	_ =	swait.ge [sflag:s15], $0x4000  }
0x2f: {  	[sflag:s15] =	ssyncset.done $0x0  }
0x30: {  	[sflag:s15] =	ssyncadd.s32 $0xFFFFC000  }
0x31: {  	[spmem:s9] =	stream.linear.scatter [tilespmem:s14], [sflag:$0x2], $0x4000, $0x38;
	[tilespmem:$0x1D000] =	vst v63  }
0x32: {  	_ =	swait.ge [sflag:s15], $0x4000  }
0x33: {  	[sflag:s15] =	ssyncset.done $0x0  }
0x34: {  	[sflag:s15] =	ssyncadd.s32 $0xFFFFC000  }
0x35: {  	s29 =	simm.s32 $0x0;
	[bflag:$0x0] =	sbarrier.arrive $0xFFFF  }
0x36: {  	[tilespmem:s29], [sflag:$0x2] =	stream.linear.gather [hbm4b:s10+s29], $0x2800, $0x38;
	[tilespmem:$0x1D000] =	vst v63  }
0x37: {  	_ =	swait.ge [sflag:s15], $0x2800  }
0x38: {  	[sflag:s15] =	ssyncset.done $0x0  }
0x39: {  	[sflag:s15] =	ssyncadd.s32 $0xFFFFD800  }
0x3a: {  	[tilespmem:s16], [sflag:$0x2] =	stream.linear.gather [hbm4b:s11+s29], $0x2800, $0x38;
	[tilespmem:$0x1D000] =	vst v63  }
0x3b: {  	_ =	swait.ge [sflag:s15], $0x2800  }
0x3c: {  	[sflag:s15] =	ssyncset.done $0x0  }
0x3d: {  	s30 =	simm.s32 $0x0;
	[sflag:s15] =	ssyncadd.s32 $0xFFFFD800  }
0x3e: {  	[tilespmem:s14], [sflag:$0x1] =	stream.indirect.gather [hbm4b:s4+s17], $0x80, s30, s17, $0xb8;
	[tilespmem:$0x1D000] =	vst v63  }
0x3f: {  	_ =	swait.ge [sflag:s18], $0x4000  }
0x40: {  	[sflag:s18] =	ssyncset.done $0x0  }
0x41: {  	s31 =	simm.s32 $0x2800;
	[sflag:s18] =	ssyncadd.s32 $0xFFFFC000  }
0x42: {  	[spmem:s2] =	stream.indirect.scatter.add.f32 [tilespmem:s14], [sflag:$0x2], $0x80, s31, s17, $0xb8;
	[tilespmem:$0x1D000] =	vst v63  }
0x43: {  	_ =	swait.ge [sflag:s15], $0x4000  }
0x44: {  	s21 =	simm.s32 $0x200;
	s22 =	simm.s32 $0x400;
	[sflag:s15] =	ssyncset.done $0x0  }
.LBB2_4:
0x45: {  	s23 =	sshra.s32 s21, $0x2  }
0x46: {  	[sflag:s15] =	ssyncadd.s32 $0xFFFFC000;
	s21 =	smov.u32 s22;
	s24 =	sadd.s32 $0x200, s22  }
0x47: {  	[tilespmem:s14], [sflag:$0x1] =	stream.indirect.gather [hbm4b:s4+s17], $0x80, s23, s17, $0xb8;
	[tilespmem:$0x1D000] =	vst v63  }
0x48: {  	p0 =	sne.s32 s22, $0x9E00;
	_ =	swait.ge [sflag:s18], $0x4000  }
.Ltmp1:
0x49: {  	[sflag:s18] =	ssyncset.done $0x0;
	(pc) =	sbr.rel @p0 .LBB2_4-.Ltmp1, $4  }
0x4a: {  	s22 =	sadd.s32 $0x2800, s23;
	[sflag:s18] =	ssyncadd.s32 $0xFFFFC000  }
0x4b: {  	[spmem:s2] =	stream.indirect.scatter.add.f32 [tilespmem:s14], [sflag:$0x2], $0x80, s22, s17, $0xb8;
	[tilespmem:$0x1D000] =	vst v63  }
0x4c: {  	_ =	swait.ge [sflag:s15], $0x4000  }
0x4d: {  	s22 =	smov.u32 s24;
	[sflag:s15] =	ssyncset.done $0x0  }
0x4e: {  	s21 =	sshra.s32 s21, $0x2;
	[sflag:s15] =	ssyncadd.s32 $0xFFFFC000  }
0x4f: {  	[tilespmem:s14], [sflag:$0x1] =	stream.indirect.gather [hbm4b:s4+s17], $0x80, s21, s17, $0xb8;
	[tilespmem:$0x1D000] =	vst v63  }
0x50: {  	_ =	swait.ge [sflag:s18], $0x4000  }
0x51: {  	[sflag:s18] =	ssyncset.done $0x0  }
0x52: {  	s21 =	sadd.s32 $0x2800, s21;
	[sflag:s18] =	ssyncadd.s32 $0xFFFFC000  }
0x53: {  	[spmem:s2] =	stream.indirect.scatter.add.f32 [tilespmem:s14], [sflag:$0x2], $0x80, s21, s17, $0xb8;
	[tilespmem:$0x1D000] =	vst v63  }
0x54: {  	_ =	swait.ge [sflag:s15], $0x4000  }
0x55: {  	s3 =	sadd.s32 $0x1, s3;
	[sflag:s15] =	ssyncset.done $0x0  }
0x56: {  	p0 =	sne.s32 s3, s13;
	[sflag:s15] =	ssyncadd.s32 $0xFFFFC000  }
.Ltmp2:
0x57: {  	[bflag:$0x0] =	sbarrier.arrive $0xFFFF;
	(pc) =	sbr.rel @p0 .LBB2_1-.Ltmp2, $4  }
0x58: {  	[hbm:s12], [sflag:s19] =	dma.local [spmem:s20], $0x2800  }
0x59: {  	_ =	swait.ge [sflag:s15], $0x2800  }
0x5a: {  	[sflag:s15] =	ssyncset.done $0x0  }
0x5b: {  	[sflag:s15] =	ssyncadd.s32 $0xFFFFD800  }
0x5c: {  	_ =	sfence.sel $0x180000  }
0x5d: {  	[bflag:$0x0] =	sbarrier.arrive $0xFFFF  }
0x5e: {  	p0 =	sne.s32 s0, $0x0;
	_ =	strace $0x9000004D  }
0x5f: {  	s0 =	sadd.s32 @!p0 $0x100000, s1;
	[bflag:$0x2] =	sbarrier.arrive $0xFFFF  }
0x60: {  	[sflag:s0] =	ssyncadd.tile.s32 @!p0 $0x1;
	_ =	shalt  }
.Lfunc_end2:
_tile_overlayer_lowered:
.L_overlay_start_2:
0x61: {  	(tag) =	ssettag $0x2  }
0x62: {  	s0 =	rddreg [dreg:$0x0];
	s2 =	stileid.u32  }
0x63: {  	s1 =	rddreg [dreg:$0x1];
	p0 =	sne.s32 s2, $0x0  }
0x64: {  	s3 =	rddreg [dreg:$0x2];
	[bflag:$0x3] =	sbarrier.arrive $0xFFFF;
	s2 =	simm.s32 @!p0 $0x1C02  }
0x65: {  	[timem:s3], [sflag:s2] =	dma.local @!p0 [hbm:s0], s1  }
0x66: {  	s0 =	simm.s32 @!p0 $0x2  }
0x67: {  	_ =	swait.ge @!p0 [sflag:s0], s1  }
0x68: {  	s1 =	ssub.s32 @!p0 $0x0, s1;
	[sflag:s0] =	ssyncset.done @!p0 $0x0  }
0x69: {  	[sflag:s0] =	ssyncadd.s32 @!p0 s1  }
0x6a: {  	[bflag:$0x3] =	sbarrier.arrive $0xFFFF  }
0x6b: {  	_ =	shalt  }

// kernel: kernel.8.cloned.1.call-start
scs
__scs_entry_jumppad:
0x0: {  	(pc) =	sbr.rel $0x88, $3  }
0x1: {  	(tag) =	ssettag $0x0;
	lr =	simm.s32 $0x1  }
0x2: {  	[smem:$0x3F97] =	sst lr;
	_ =	strace $0xD0000000  }
0x3: {  	_ = 	snop  }
0x4: {  	_ = 	snop  }
0x5: {  	_ = 	snop  }
0x6: {  	_ = 	snop  }
0x7: {  	_ = 	snop  }
__scs_overlays_trampoline_lowered:
0x8: {  	[smem:$0x3FA6] =	sst s0  }
0x9: {  	[smem:$0x3FA7] =	sst s1  }
0xa: {  	[smem:$0x3FA8] =	sst s2  }
0xb: {  	[smem:$0x3FA9] =	sst s3  }
0xc: {  	[smem:$0x3FAA] =	sst s4  }
0xd: {  	[smem:$0x3FAB] =	sst s5  }
0xe: {  	[smem:$0x3FAC] =	sst s6  }
0xf: {  	[smem:$0x3FAD] =	sst s7  }
0x10: {  	[smem:$0x3FAE] =	sst s8  }
0x11: {  	[smem:$0x3FAF] =	sst s9;
	s0 =	simm.s32 @!p0 $0x0  }
0x12: {  	s1 =	sld [smem:$0x3F95];
	s0 =	simm.s32 @p0 $0x1  }
0x13: {  	[smem:$0x3FB0] =	sst s0;
	s0 =	simm.s32 @!p1 $0x0  }
0x14: {  	s2 =	sld [smem:$0x3F94];
	s0 =	simm.s32 @p1 $0x1  }
0x15: {  	[smem:$0x3FB1] =	sst s0;
	s0 =	simm.s32 @!p2 $0x0  }
0x16: {  	s3 =	sld [smem:$0x3FDB];
	s0 =	simm.s32 @p2 $0x1  }
0x17: {  	s4 =	simm.s32 $0x1BF5;
	[smem:$0x3FB3] =	sst s0  }
0x18: {  	s0 =	sld [smem:$0x3F96];
	_ =	swait.ge [sflag:s4], $0x0  }
0x19: {  	s7 =	sld [smem:$0x3F97]  }
0x1a: {  	s8 =	sadd.s32 $0xFFFFE003, lr  }
0x1b: {  	s9 =	sadd.s32 $0xFFFFFEF7, lr;
	s5 =	simm.s32 $0xFFFFFFFF;
	p2 =	slt.u32 s8, $0xFFFFF086  }
0x1c: {  	p1 =	slt.u32 s9, $0xF7A;
	s5 =	simm.s32 @!p2 $0x0  }
0x1d: {  	s5 =	simm.s32 @p1 $0x1;
	p0 =	seq.s32 s7, s2  }
0x1e: {  	s7 =	smul.u32 @!p0 $0xF7A, s2;
	p2 =	seq.s32 @!p0 s5, $0x0  }
0x1f: {  	s9 =	smul.u32 $0xF7A, s1;
	s8 =	simm.s32 @!p0 $0x1BF5;
	p2 =	por !p2, p0  }
0x20: {  	[sflag:s8] =	ssyncset.s32 @!p0 $0xFFFFF086;
	s6 =	sadd.s32 @!p0 s3, s7;
	s7 =	simm.s32 @!p0 $0x108  }
0x21: {  	s3 =	sadd.s32 s3, s9;
	s6 =	sadd.s32 @!p0 $0x88, s6;
	s7 =	simm.s32 @p2 $0x1082  }
0x22: {  	[simem:s7], [sflag:s8] =	dma.local @!p0 [hbm:s6], $0xF7A  }
0x23: {  	s9 =	sor.u32 $0xD0000000, s2;
	s6 =	simm.s32 $0x108;
	_ =	swait.ge @!p0 [sflag:s8], $0x0  }
0x24: {  	s3 =	sadd.s32 $0x88, s3;
	s6 =	simm.s32 @!p1 $0x1082;
	[sflag:s4] =	ssyncset.s32 $0xFFFFF086  }
0x25: {  	[simem:s6], [sflag:s4] =	dma.local [hbm:s3], $0xF7A  }
0x26: {  	[smem:$0x3F97] =	sst s1;
	(tag) =	ssettag s2;
	_ =	strace s9  }
0x27: {  	s1 =	sld [smem:$0x3FA7]  }
0x28: {  	s2 =	sld [smem:$0x3FA8]  }
0x29: {  	s4 =	sld [smem:$0x3FAA]  }
0x2a: {  	p0 =	seq.s32 s5, $0x0;
	s5 =	sld [smem:$0x3FAB]  }
0x2b: {  	s6 =	sld [smem:$0x3FAC]  }
0x2c: {  	s7 =	sld [smem:$0x3FAD]  }
0x2d: {  	s3 =	simm.s32 $0x108;
	s8 =	sld [smem:$0x3FAE]  }
0x2e: {  	s3 =	simm.s32 @!p0 $0x1082;
	s9 =	sld [smem:$0x3FAF]  }
0x2f: {  	lr =	sadd.s32 s0, s3;
	s0 =	sld [smem:$0x3FA6]  }
0x30: {  	s3 =	sld [smem:$0x3FA9]  }
0x31: {  	[smem:$0x3FB2] =	sst s10  }
0x32: {  	s10 =	sld [smem:$0x3FB0];
	_ =	sdelay $0x3  }
0x33: {  	p0 =	seq.s32 s10, $0x1;
	s10 =	sld [smem:$0x3FB2];
	_ =	sdelay $0x3  }
0x34: {  	[smem:$0x3FB2] =	sst s10  }
0x35: {  	s10 =	sld [smem:$0x3FB1];
	_ =	sdelay $0x3  }
0x36: {  	p1 =	seq.s32 s10, $0x1;
	s10 =	sld [smem:$0x3FB2];
	_ =	sdelay $0x3  }
0x37: {  	[smem:$0x3FB2] =	sst s10  }
0x38: {  	s10 =	sld [smem:$0x3FB3]  }
0x39: {  	_ = 	snop;
	(pc) =	sbr.ind lr, $3  }
0x3a: {  	_ = 	snop  }
0x3b: {  	_ = 	snop  }
0x3c: {  	p2 =	seq.s32 s10, $0x1;
	s10 =	sld [smem:$0x3FB2]  }
0x3d: {  	_ =	shalt  }
0x3e: {  	_ =	shalt  }
0x3f: {  	_ =	shalt  }
0x40: {  	_ =	shalt  }
0x41: {  	_ =	shalt  }
0x42: {  	_ =	shalt  }
0x43: {  	_ =	shalt  }
0x44: {  	_ =	shalt  }
0x45: {  	_ =	shalt  }
0x46: {  	_ =	shalt  }
0x47: {  	_ =	shalt  }
0x48: {  	_ =	shalt  }
0x49: {  	_ =	shalt  }
0x4a: {  	_ =	shalt  }
0x4b: {  	_ =	shalt  }
0x4c: {  	_ =	shalt  }
0x4d: {  	_ =	shalt  }
0x4e: {  	_ =	shalt  }
0x4f: {  	_ =	shalt  }
0x50: {  	_ =	shalt  }
0x51: {  	_ =	shalt  }
0x52: {  	_ =	shalt  }
0x53: {  	_ =	shalt  }
0x54: {  	_ =	shalt  }
0x55: {  	_ =	shalt  }
0x56: {  	_ =	shalt  }
0x57: {  	_ =	shalt  }
0x58: {  	_ =	shalt  }
0x59: {  	_ =	shalt  }
0x5a: {  	_ =	shalt  }
0x5b: {  	_ =	shalt  }
0x5c: {  	_ =	shalt  }
0x5d: {  	_ =	shalt  }
0x5e: {  	_ =	shalt  }
0x5f: {  	_ =	shalt  }
0x60: {  	_ =	shalt  }
0x61: {  	_ =	shalt  }
0x62: {  	_ =	shalt  }
0x63: {  	_ =	shalt  }
0x64: {  	_ =	shalt  }
0x65: {  	_ =	shalt  }
0x66: {  	_ =	shalt  }
0x67: {  	_ =	shalt  }
0x68: {  	_ =	shalt  }
0x69: {  	_ =	shalt  }
0x6a: {  	_ =	shalt  }
0x6b: {  	_ =	shalt  }
0x6c: {  	_ =	shalt  }
0x6d: {  	_ =	shalt  }
0x6e: {  	_ =	shalt  }
0x6f: {  	_ =	shalt  }
0x70: {  	_ =	shalt  }
0x71: {  	_ =	shalt  }
0x72: {  	_ =	shalt  }
0x73: {  	_ =	shalt  }
0x74: {  	_ =	shalt  }
0x75: {  	_ =	shalt  }
0x76: {  	_ =	shalt  }
0x77: {  	_ =	shalt  }
0x78: {  	_ =	shalt  }
0x79: {  	_ =	shalt  }
0x7a: {  	_ =	shalt  }
0x7b: {  	_ =	shalt  }
0x7c: {  	_ =	shalt  }
0x7d: {  	_ =	shalt  }
0x7e: {  	_ =	shalt  }
0x7f: {  	_ =	shalt  }
0x80: {  	_ =	shalt  }
0x81: {  	_ =	shalt  }
0x82: {  	_ =	shalt  }
0x83: {  	_ =	shalt  }
0x84: {  	_ =	shalt  }
0x85: {  	_ =	shalt  }
0x86: {  	_ =	shalt  }
0x87: {  	_ =	shalt  }
.Lfunc_end0:
.L_simem_size_0:
called_computation_lowered:
.L_overlay_start_0:
0x88: {  	s2 =	sld [smem:$0x3FD9]  }
0x89: {  	s3 =	sld [smem:$0x3FFE];
	_ =	sdelay $0x1  }
0x8a: {  	s1 =	srdreg.scid  }
0x8b: {  	s0 =	sand.u32 $0x1, s1  }
0x8c: {  	s16 =	sshll.u32 s0, $0xA;
	s2 =	sadd.s32 s3, s2  }
0x8d: {  	s2 =	sadd.s32 s2, s16  }
0x8e: {  	[smem:$0x3FBE] =	sst s2  }
0x8f: {  	_ = 	snop  }
0x90: {  	(tm) =	ssettm $0x1  }
0x91: {  	s17 =	sld [smem:$0x3FFB];
	_ =	sdelay $0x3  }
0x92: {  	_ =	strace s17  }
0x93: {  	s2 =	sld [smem:$0x3FFC];
	_ =	sdelay $0x3  }
0x94: {  	_ =	strace s2  }
0x95: {  	s2 =	sld [smem:$0x3FFD];
	_ =	sdelay $0x3  }
0x96: {  	_ =	strace s2  }
0x97: {  	_ =	strace $0x8FFFFFFF  }
0x98: {  	s18 =	sld [smem:$0x3FDB];
	_ =	sdelay $0x1  }
0x99: {  	s19 =	simm.s32 $_scs_section_size  }
0x9a: {  	s4 =	simm.s32 $_size__tile_overlayer_lowered;
	s5 =	simm.s32 $_tile_overlayer_lowered  }
0x9b: {  	s22 =	simm.s32 $0x1BFF;
	s21 =	sshll.u32 s5, $0x1;
	s2 =	sadd.s32 s19, s18  }
0x9c: {  	s6 =	simm.s32 $0x0;
	s20 =	sshll.u32 s4, $0x1;
	s4 =	sadd.s32 s21, s2  }
0x9d: {  	[timem:s6], [sflag:s22] =	dma.local [hbm:s4], s20  }
0x9e: {  	_ =	swait.ge [sflag:s22], s20  }
0x9f: {  	s3 =	ssub.s32 $0x0, s20;
	[sflag:s22] =	ssyncset.done $0x0  }
0xa0: {  	[sflag:s22] =	ssyncadd.s32 s3;
	_ =	sdelay $0x1  }
0xa1: {  	s23 =	simm.s32 $0x1B8B  }
0xa2: {  	_ =	swait.ge [sflag:s23], $0x1  }
0xa3: {  	[sflag:s23] =	ssyncset.done $0x0  }
0xa4: {  	s25 =	simm.s32 $0x1B8E;
	s24 =	sld [smem:$0x3FFE];
	[sflag:s23] =	ssyncadd.s32 $0xFFFFFFFF  }
0xa5: {  	s26 =	simm.s32 $execute0_lowered;
	[smem:$0x3FD2] =	sst s25  }
0xa6: {  	s4 =	sshll.u32 s26, $0x1;
	_ =	strace $0x80000046;
	[dreg:$0x1] =	wrdreg $0xFFFFFFFF  }
0xa7: {  	s28 =	simm.s32 $_size_execute0_lowered;
	s2 =	sadd.s32 s2, s4;
	[dreg:$0x0] =	wrdreg $0x0  }
0xa8: {  	s4 =	sshll.u32 s28, $0x1;
	[dreg:$0x2] =	wrdreg s2  }
0xa9: {  	[dreg:$0x3] =	wrdreg s4  }
0xaa: {  	[dreg:$0x4] =	wrdreg $0xC0  }
0xab: {  	_ =	task [dreg:s6], $0x5FFFF  }
0xac: {  	[dreg:$0x1] =	wrdreg $0xFFFFFFFF  }
0xad: {  	[dreg:$0x0] =	wrdreg $0x60  }
0xae: {  	[dreg:$0x2] =	wrdreg s24  }
0xaf: {  	[dreg:$0x3] =	wrdreg $0xA8000  }
0xb0: {  	[dreg:$0x4] =	wrdreg $0x9  }
0xb1: {  	_ =	task.clear_ibuf [dreg:s6], $0x5FFFF;
	_ =	strace $0x90000046  }
0xb2: {  	s29 =	simm.s32 $0x9;
	_ =	strace $0x80000048  }
0xb3: {  	_ =	swait.ge [sflag:s29], $0x1  }
0xb4: {  	[sflag:s29] =	ssyncadd.s32 $0xFFFFFFFF  }
0xb5: {  	_ =	strace $0x90000048  }
0xb6: {  	_ =	sfence  }
0xb7: {  	s30 =	sld [smem:$0x0];
	_ =	sdelay $0x2  }
0xb8: {  	s31 =	sshll.u32 s1, $0xD;
	s1 =	sshrl.u32 s1, $0x2  }
0xb9: {  	s3 =	sand.u32 $0x4000, s31;
	s1 =	sadd.s32 s1, s30  }
0xba: {  	s0 =	sor.u32 s3, s0;
	s1 =	sshll.u32 s1, $0x11  }
0xbb: {  	s0 =	sor.u32 s1, s0  }
0xbc: {  	s0 =	sadd.s32 $0x8F2B, s0  }
0xbd: {  	[sflag:s0] =	ssyncadd.remote.s32 $0x1  }
0xbe: {  	_ =	sfence.sel $0xFFFF  }
0xbf: {  	[dreg:$0x0] =	wrdreg $0xFFFFFFFF;
	(pc) =	sbr.abs _section_cstart, $3  }
0xc0: {  	[dreg:$0x1] =	wrdreg $0xFFFFFFFF  }
0xc1: {  	_ =	task.clear_ibuf [dreg:s6], $0x2FFFF;
	_ =	strace $0x9FFFFFFF  }
0xc2: {  	(tm) =	ssettm $0x7FFFFFFF  }
0xc3: {  	_ =	shalt  }
tec
execute0_lowered:
.L_overlay_start_1:
0x0: {  	(tag) =	ssettag $0x1  }
0x1: {  	s0 =	srdreg.scid;
	s5 =	rddreg [dreg:$0x0]  }
0x2: {  	s2 =	rddreg [dreg:$0x1];
	s3 =	simm.s32 $0x0;
	s4 =	sand.u32 $0x1, s0  }
0x3: {  	s13 =	simm.s32 $0x1;
	s0 =	stileid.u32;
	s7 =	smul.u32 $0x140000, s4  }
0x4: {  	s14 =	simm.s32 $0x80;
	s15 =	simm.s32 $0x2800;
	s8 =	smul.u32 $0x14000, s0  }
0x5: {  	[smem:$0x7FF] =	sst s3;
	s1 =	sshll.u32 s4, $0x4;
	s9 =	smul.u32 $0x50000, s0  }
0x6: {  	s29 =	ssub.s32 $0x2, s4;
	s16 =	sshll.u32 s0, $0x6;
	s1 =	sor.u32 s0, s1  }
0x7: {  	s31 =	sshrl.u32 s29, $0x1;
	s16 =	sor.u32 $0x1C01, s16;
	s6 =	smul.u32 $0x500, s1  }
0x8: {  	s1 =	rddreg [dreg:$0x2];
	_ =	strace $0x80000047;
	s30 =	sshrl.u32 s9, $0x2  }
0x9: {  	s28 =	sadd.s32 s8, s7;
	s12 =	ssub.s32 s29, s31;
	s4 =	sadd.s32 s30, s2  }
0xa: {  	s10 =	sadd.s32 s6, s5;
	s6 =	sshrl.u32 s28, $0x3;
	s7 =	sadd.s32 $0xC000, s4  }
0xb: {  	s8 =	sadd.s32 $0x10000, s4;
	s17 =	sshrl.u32 s4, $0x3;
	s11 =	sadd.s32 s6, s5  }
0xc: {  	s5 =	sadd.s32 $0x4000, s4;
	s6 =	sadd.s32 $0x8000, s4;
	s9 =	sadd.s32 $0x2E00, s10  }
0xd: {  	v0 =	vimm.f32 $1.000000000e+00;
	v1 =	vimm.f32 $0.0e+00;
	s10 =	sadd.s32 $0xCE00, s11;
	s11 =	smax.u32 s12, $0x1;
	s12 =	simm.s32 $0x6800  }
.LBB2_1:
0xe: {  	s18 =	simm.s32 $0x0  }
.LBB2_2:
0xf: {  	p0 =	sne.s32 s18, $0xFE00  }
.Ltmp0:
0x10: {  	_ = 	snop;
	(pc) =	sbr.rel @p0 .LBB2_2-.Ltmp0, $3  }
0x11: {  	_ =	sdelay $0x1  }
0x12: {  	s19 =	sshra.s32 s18, $0x2  }
0x13: {  	s18 =	sadd.s32 $0x200, s18;
	[tilespmem:s19+$0x2800] =	vst v0  }
0x14: {  	s18 =	simm.s32 $0x200;
	s19 =	simm.s32 $0x0  }
.LBB2_4:
0x15: {  	p0 =	sne.s32 s18, $0xFE00;
	[tilespmem:s19+$0x6800] =	vst v1;
	s19 =	smov.u32 s18;
	s18 =	sadd.s32 $0x200, s18  }
.Ltmp1:
0x16: {  	(pc) =	sbr.rel @p0 .LBB2_4-.Ltmp1, $2  }
0x17: {  	_ =	sdelay $0x2  }
0x18: {  	s19 =	sshra.s32 s19, $0x2  }
0x19: {  	[tilespmem:s19+$0x6800] =	vst v1  }
0x1a: {  	[spmem:s4] =	stream.linear.scatter [tilespmem:s12], [sflag:$0x1], $0x4000, $0x38;
	[tilespmem:$0xD000] =	vst v63  }
0x1b: {  	_ =	swait.ge [sflag:s13], $0x4000  }
0x1c: {  	[sflag:s13] =	ssyncset.done $0x0  }
0x1d: {  	[sflag:s13] =	ssyncadd.s32 $0xFFFFC000  }
0x1e: {  	[spmem:s5] =	stream.linear.scatter [tilespmem:s12], [sflag:$0x1], $0x4000, $0x38;
	[tilespmem:$0xD000] =	vst v63  }
0x1f: {  	_ =	swait.ge [sflag:s13], $0x4000  }
0x20: {  	[sflag:s13] =	ssyncset.done $0x0  }
0x21: {  	[sflag:s13] =	ssyncadd.s32 $0xFFFFC000  }
0x22: {  	[spmem:s6] =	stream.linear.scatter [tilespmem:s12], [sflag:$0x1], $0x4000, $0x38;
	[tilespmem:$0xD000] =	vst v63  }
0x23: {  	_ =	swait.ge [sflag:s13], $0x4000  }
0x24: {  	[sflag:s13] =	ssyncset.done $0x0  }
0x25: {  	[sflag:s13] =	ssyncadd.s32 $0xFFFFC000  }
0x26: {  	[spmem:s7] =	stream.linear.scatter [tilespmem:s12], [sflag:$0x1], $0x4000, $0x38;
	[tilespmem:$0xD000] =	vst v63  }
0x27: {  	_ =	swait.ge [sflag:s13], $0x4000  }
0x28: {  	[sflag:s13] =	ssyncset.done $0x0  }
0x29: {  	[sflag:s13] =	ssyncadd.s32 $0xFFFFC000  }
0x2a: {  	[spmem:s8] =	stream.linear.scatter [tilespmem:s12], [sflag:$0x1], $0x4000, $0x38;
	[tilespmem:$0xD000] =	vst v63  }
0x2b: {  	_ =	swait.ge [sflag:s13], $0x4000  }
0x2c: {  	[sflag:s13] =	ssyncset.done $0x0  }
0x2d: {  	[sflag:s13] =	ssyncadd.s32 $0xFFFFC000  }
0x2e: {  	s18 =	simm.s32 $0x0;
	[bflag:$0x0] =	sbarrier.arrive $0xFFFF  }
0x2f: {  	[tilespmem:s18], [sflag:$0x1] =	stream.linear.gather [hbm4b:s9+s18], $0x2800, $0x38;
	[tilespmem:$0xD000] =	vst v63  }
0x30: {  	_ =	swait.ge [sflag:s13], $0x2800  }
0x31: {  	[sflag:s13] =	ssyncset.done $0x0  }
0x32: {  	s31 =	simm.s32 $0x0;
	[sflag:s13] =	ssyncadd.s32 $0xFFFFD800  }
0x33: {  	[spmem:s2] =	stream.indirect.scatter.add.f32 [tilespmem:s15], [sflag:$0x1], $0x10, s31, s14, $0xb8;
	[tilespmem:$0xD000] =	vst v63  }
0x34: {  	_ =	swait.ge [sflag:s13], $0x800  }
0x35: {  	s18 =	simm.s32 $0x200;
	[sflag:s13] =	ssyncset.done $0x0  }
.LBB2_6:
0x36: {  	s19 =	sshra.s32 s18, $0x2;
	[sflag:s13] =	ssyncadd.s32 $0xFFFFF800;
	p0 =	sne.s32 s18, $0x9E00  }
0x37: {  	[spmem:s2] =	stream.indirect.scatter.add.f32 [tilespmem:s15], [sflag:$0x1], $0x10, s19, s14, $0xb8;
	[tilespmem:$0xD000] =	vst v63  }
.Ltmp2:
0x38: {  	_ = 	snop;
	(pc) =	sbr.rel @p0 .LBB2_6-.Ltmp2, $4  }
0x39: {  	_ = 	snop  }
0x3a: {  	s18 =	sadd.s32 $0x200, s18  }
0x3b: {  	_ =	swait.ge [sflag:s13], $0x800  }
0x3c: {  	[sflag:s13] =	ssyncset.done $0x0  }
0x3d: {  	s3 =	sadd.s32 $0x1, s3  }
0x3e: {  	[sflag:s13] =	ssyncadd.s32 $0xFFFFF800;
	p0 =	sne.s32 s3, s11  }
.Ltmp3:
0x3f: {  	[bflag:$0x0] =	sbarrier.arrive $0xFFFF;
	(pc) =	sbr.rel @p0 .LBB2_1-.Ltmp3, $4  }
0x40: {  	[hbm:s10], [sflag:s16] =	dma.local [spmem:s17], $0x2800  }
0x41: {  	_ =	swait.ge [sflag:s13], $0x2800  }
0x42: {  	[sflag:s13] =	ssyncset.done $0x0  }
0x43: {  	[sflag:s13] =	ssyncadd.s32 $0xFFFFD800  }
0x44: {  	_ =	sfence.sel $0x180000  }
0x45: {  	[bflag:$0x0] =	sbarrier.arrive $0xFFFF  }
0x46: {  	p0 =	sne.s32 s0, $0x0;
	_ =	strace $0x90000047  }
0x47: {  	s0 =	sadd.s32 @!p0 $0x100000, s1;
	[bflag:$0x2] =	sbarrier.arrive $0xFFFF  }
0x48: {  	[sflag:s0] =	ssyncadd.tile.s32 @!p0 $0x1;
	_ =	shalt  }
.Lfunc_end2:
_tile_overlayer_lowered:
.L_overlay_start_2:
0x49: {  	(tag) =	ssettag $0x2  }
0x4a: {  	s0 =	rddreg [dreg:$0x0];
	s2 =	stileid.u32  }
0x4b: {  	s1 =	rddreg [dreg:$0x1];
	p0 =	sne.s32 s2, $0x0  }
0x4c: {  	s3 =	rddreg [dreg:$0x2];
	[bflag:$0x3] =	sbarrier.arrive $0xFFFF;
	s2 =	simm.s32 @!p0 $0x1C01  }
0x4d: {  	[timem:s3], [sflag:s2] =	dma.local @!p0 [hbm:s0], s1  }
0x4e: {  	s0 =	simm.s32 @!p0 $0x1  }
0x4f: {  	_ =	swait.ge @!p0 [sflag:s0], s1  }
0x50: {  	s1 =	ssub.s32 @!p0 $0x0, s1;
	[sflag:s0] =	ssyncset.done @!p0 $0x0  }
0x51: {  	[sflag:s0] =	ssyncadd.s32 @!p0 s1  }
0x52: {  	[bflag:$0x3] =	sbarrier.arrive $0xFFFF  }
0x53: {  	_ =	shalt  }

</sc_bundles>
